<compile_context>
chip_gen: v7x
topology: tpu7x:2x2x1
jax: 0.10.2.dev20260603
libtpu: 0.0.44.dev20260713+nightly
codegen_flags: <defaults>
</compile_context>

<pallas_src>
import functools

import jax
import jax.numpy as jnp
from jax import lax
from jax.experimental import pallas as pl
from jax.experimental.pallas import tpu as pltpu
from jax.experimental.pallas import tpu_sc as plsc

D = 64
SCALE = 8.0


@functools.lru_cache(maxsize=None)
def _make_kernel(NB: int, S: int, R: int):
    info = plsc.get_sparse_core_info()
    NC, NS = info.num_cores, info.num_subcores
    NW = NC * NS
    assert NB % NW == 0
    rows_per_w = NB // NW
    assert rows_per_w % R == 0
    n_chunks = rows_per_w // R
    C = R * S
    assert C % 16 == 0
    mesh = plsc.VectorSubcoreMesh(core_axis_name="c", subcore_axis_name="s")

    @functools.partial(
        pl.kernel,
        mesh=mesh,
        out_type=jax.ShapeDtypeStruct((NB, S, D), jnp.float32),
        scratch_types=[
            pltpu.VMEM((C,), jnp.int32),
            pltpu.VMEM((C, D), jnp.float32),
            pltpu.SemaphoreType.DMA,
        ],
        compiler_params=pltpu.CompilerParams(use_tc_tiling_on_sc=True),
    )
    def k(idx_hbm, table_hbm, out_hbm, idx_v, rows_v, gsem):
        wid = lax.axis_index("s") * NC + lax.axis_index("c")
        base_row = wid * rows_per_w

        def chunk_body(cidx, _):
            b0 = base_row + cidx * R
            off = b0 * S
            pltpu.sync_copy(idx_hbm.at[pl.ds(off, C)], idx_v)

            def fire(blk, _):
                k0 = blk * 16
                v = idx_v[pl.ds(k0, 16)]
                for i in range(16):
                    pltpu.async_copy(
                        table_hbm.at[v[i]], rows_v.at[k0 + i], gsem
                    )
                return 0

            lax.fori_loop(0, C // 16, fire, 0)

            for a in range(R):
                pltpu.make_async_copy(
                    out_hbm.at[b0 + a], rows_v.at[pl.ds(a * S, S)], gsem
                ).wait()

            def scale_row(s, _):
                for j in range(D // 16):
                    sl = pl.ds(j * 16, 16)
                    rows_v[s, sl] = rows_v[s, sl] * SCALE
                return 0

            lax.fori_loop(0, C, scale_row, 0)
            for a in range(R):
                pltpu.sync_copy(
                    rows_v.at[pl.ds(a * S, S)], out_hbm.at[b0 + a]
                )
            return 0

        lax.fori_loop(0, n_chunks, chunk_body, 0)

    return k


def kernel(x, table):
    NB, S = x.shape
    flat = x.reshape(NB * S).astype(jnp.int32)
    out = _make_kernel(NB, S, 4)(flat, table)
    return out

# --- scband reference (transcript-rebuilt; emitter-appended) ---
"""Pipeline reference for scband-input-embedding-48077863912271 (READ-ONLY COPY).

The authoritative reference and input builder live on the scoring server;
editing this copy changes nothing except your own understanding.
"""

import jax, jax.numpy as jnp
import numpy as np
import math

VOCAB = 1000000
D_MODEL = 64
BATCH = 4096
SEQ = 200

def setup_inputs(seed: int = 0) -> dict:
    key = jax.random.key(seed)
    k_idx, k_tab = jax.random.split(key)
    x = jax.random.randint(k_idx, (BATCH, SEQ), 0, VOCAB, dtype=jnp.int64 if jax.config.jax_enable_x64 else jnp.int32)
    table = jax.random.normal(k_tab, (VOCAB, D_MODEL), dtype=jnp.float32)
    return {"x": x, "table": table}

def reference(x, table):
    scale = math.sqrt(D_MODEL)
    # embedding lookup: gather rows of table by x, then scale by sqrt(d_model)
    emb = jnp.take(table, x, axis=0)  # (batch, seq, d_model)
    return emb * scale

if __name__ == "__main__":
    import jax
    _d = setup_inputs()
    print(jax.jit(kernel)(*tuple(_d.values())))

</pallas_src>

<mosaic_0001>
#map = affine_map<(d0, d1) -> (0)>
#map1 = affine_map<(d0, d1) -> (0, 0)>
#map2 = affine_map<(d0, d1) -> (0, 0, 0)>
module attributes {stable_mosaic.version = 14 : i64} {
  func.func @k(%arg0: i32, %arg1: i32, %arg2: memref<819200xi32, #tpu.memory_space<hbm>>, %arg3: memref<1000000x64xf32, #tpu.memory_space<hbm>>, %arg4: memref<4096x200x64xf32, #tpu.memory_space<hbm>>, %arg5: memref<800xi32, #tpu.memory_space<vmem>>, %arg6: memref<800x64xf32, #tpu.memory_space<vmem>>, %arg7: memref<!tpu.dma_semaphore, #tpu.memory_space<semaphore_mem>>) attributes {dimension_semantics = [#tpu.dimension_semantics<core_parallel>, #tpu.dimension_semantics<subcore_parallel>], iteration_bounds = array<i64: 2, 16>, scalar_prefetch = 0 : i64, scratch_operands = 3 : i64, tpu.core_type = #tpu.core_type<sc_vector_subcore>, window_params = [{transform_indices = #map}, {transform_indices = #map1}, {transform_indices = #map2}]} {
    %mul3A = arith.constant 2 : i32
    %mul3A_0 = arith.muli %arg1, %mul3A : i32
    %add3A = arith.addi %mul3A_0, %arg0 : i32
    %mul3A_1 = arith.constant 128 : i32
    %mul3A_2 = arith.muli %add3A, %mul3A_1 : i32
    %scan3A = arith.constant 0 : i32
    %scan3A_3 = arith.constant 0 : i32
    %scan3A_4 = arith.constant 32 : i32
    %scan3A_5 = arith.addi %scan3A_3, %scan3A_4 : i32
    %scan3A_6 = arith.constant 1 : i32
    %scan3A_7 = scf.for %scan3A_9 = %scan3A_3 to %scan3A_5 step %scan3A_6 iter_args(%scan3A_10 = %scan3A) -> (i32)  : i32 {
      %mul3A_11 = arith.constant 4 : i32
      %mul3A_12 = arith.muli %scan3A_9, %mul3A_11 : i32
      %add3A_13 = arith.addi %mul3A_2, %mul3A_12 : i32
      %mul3A_14 = arith.constant 200 : i32
      %mul3A_15 = arith.muli %add3A_13, %mul3A_14 : i32
      "tpu.region"() ({
        %run_scoped3A = tpu.sem_alloc : memref<!tpu.dma_semaphore, #tpu.memory_space<semaphore_mem>>
        %dma_start3A = tpu.memref_slice %arg2[%mul3A_15] : memref<819200xi32, #tpu.memory_space<hbm>> -> memref<800xi32, #tpu.memory_space<hbm>>
        %dma_start3A_102 = tpu.memref_slice %arg2[%mul3A_15] : memref<819200xi32, #tpu.memory_space<hbm>> -> memref<800xi32, #tpu.memory_space<hbm>>
        tpu.enqueue_dma source(%dma_start3A_102 : memref<800xi32, #tpu.memory_space<hbm>>) target(%arg5 : memref<800xi32, #tpu.memory_space<vmem>>) target_semaphore(%run_scoped3A : memref<!tpu.dma_semaphore, #tpu.memory_space<semaphore_mem>>)
        %dma_wait3A_103 = tpu.memref_slice %arg2[%mul3A_15] : memref<819200xi32, #tpu.memory_space<hbm>> -> memref<800xi32, #tpu.memory_space<hbm>>
        %dma_wait3A_104 = tpu.memref_slice %arg2[%mul3A_15] : memref<819200xi32, #tpu.memory_space<hbm>> -> memref<800xi32, #tpu.memory_space<hbm>>
        tpu.wait_dma2 semaphore(%run_scoped3A : memref<!tpu.dma_semaphore, #tpu.memory_space<semaphore_mem>>) src(%dma_wait3A_104 : memref<800xi32, #tpu.memory_space<hbm>>) dst(%arg5 : memref<800xi32, #tpu.memory_space<vmem>>)
        tpu.yield
      }) : () -> ()
      %scan3A_16 = arith.constant 0 : i32
      %scan3A_17 = arith.constant 0 : i32
      %scan3A_18 = arith.constant 50 : i32
      %scan3A_19 = arith.addi %scan3A_17, %scan3A_18 : i32
      %scan3A_20 = arith.constant 1 : i32
      %scan3A_21 = scf.for %scan3A_102 = %scan3A_17 to %scan3A_19 step %scan3A_20 iter_args(%scan3A_103 = %scan3A_16) -> (i32)  : i32 {
        %mul3A_104 = arith.constant 16 : i32
        %mul3A_105 = arith.muli %scan3A_102, %mul3A_104 : i32
        %get3A = arith.index_cast %mul3A_105 : i32 to index
        %get3A_106 = tpu.vector_load %arg5[%get3A] {strides = array<i32>} : memref<800xi32, #tpu.memory_space<vmem>>, vector<16xi32>,
        %get3A_107 = vector.shape_cast %get3A_106 : vector<16xi32> to vector<16xi32>
        %slice3A = vector.extract_strided_slice %get3A_107 {offsets = [0], sizes = [1], strides = [1]} : vector<16xi32> to vector<1xi32>
        %squeeze3A = vector.extract %slice3A[0] : i32 from vector<1xi32>
        %add3A_108 = arith.constant 0 : i32
        %add3A_109 = arith.addi %mul3A_105, %add3A_108 : i32
        %dma_start3A = arith.constant 0 : i32
        %dma_start3A_110 = tpu.memref_slice %arg6[%add3A_109, %dma_start3A] : memref<800x64xf32, #tpu.memory_space<vmem>> -> memref<1x64xf32, #tpu.memory_space<vmem>>
        %dma_start3A_111 = tpu.memref_squeeze %dma_start3A_110 : memref<1x64xf32, #tpu.memory_space<vmem>> -> memref<64xf32, #tpu.memory_space<vmem>>
        %dma_start3A_112 = arith.constant 0 : i32
        %dma_start3A_113 = tpu.memref_slice %arg3[%squeeze3A, %dma_start3A_112] : memref<1000000x64xf32, #tpu.memory_space<hbm>> -> memref<1x64xf32, #tpu.memory_space<hbm>>
        %dma_start3A_114 = tpu.memref_squeeze %dma_start3A_113 : memref<1x64xf32, #tpu.memory_space<hbm>> -> memref<64xf32, #tpu.memory_space<hbm>>
        %dma_start3A_115 = arith.constant 0 : i32
        %dma_start3A_116 = tpu.memref_slice %arg6[%add3A_109, %dma_start3A_115] : memref<800x64xf32, #tpu.memory_space<vmem>> -> memref<1x64xf32, #tpu.memory_space<vmem>>
        %dma_start3A_117 = tpu.memref_squeeze %dma_start3A_116 : memref<1x64xf32, #tpu.memory_space<vmem>> -> memref<64xf32, #tpu.memory_space<vmem>>
        %dma_start3A_118 = arith.constant 0 : i32
        %dma_start3A_119 = tpu.memref_slice %arg3[%squeeze3A, %dma_start3A_118] : memref<1000000x64xf32, #tpu.memory_space<hbm>> -> memref<1x64xf32, #tpu.memory_space<hbm>>
        %dma_start3A_120 = tpu.memref_squeeze %dma_start3A_119 : memref<1x64xf32, #tpu.memory_space<hbm>> -> memref<64xf32, #tpu.memory_space<hbm>>
        tpu.enqueue_dma source(%dma_start3A_120 : memref<64xf32, #tpu.memory_space<hbm>>) target(%dma_start3A_117 : memref<64xf32, #tpu.memory_space<vmem>>) target_semaphore(%arg7 : memref<!tpu.dma_semaphore, #tpu.memory_space<semaphore_mem>>)
        %slice3A_121 = vector.extract_strided_slice %get3A_107 {offsets = [1], sizes = [1], strides = [1]} : vector<16xi32> to vector<1xi32>
        %squeeze3A_122 = vector.extract %slice3A_121[0] : i32 from vector<1xi32>
        %add3A_123 = arith.constant 1 : i32
        %add3A_124 = arith.addi %mul3A_105, %add3A_123 : i32
        %dma_start3A_125 = arith.constant 0 : i32
        %dma_start3A_126 = tpu.memref_slice %arg6[%add3A_124, %dma_start3A_125] : memref<800x64xf32, #tpu.memory_space<vmem>> -> memref<1x64xf32, #tpu.memory_space<vmem>>
        %dma_start3A_127 = tpu.memref_squeeze %dma_start3A_126 : memref<1x64xf32, #tpu.memory_space<vmem>> -> memref<64xf32, #tpu.memory_space<vmem>>
        %dma_start3A_128 = arith.constant 0 : i32
        %dma_start3A_129 = tpu.memref_slice %arg3[%squeeze3A_122, %dma_start3A_128] : memref<1000000x64xf32, #tpu.memory_space<hbm>> -> memref<1x64xf32, #tpu.memory_space<hbm>>
        %dma_start3A_130 = tpu.memref_squeeze %dma_start3A_129 : memref<1x64xf32, #tpu.memory_space<hbm>> -> memref<64xf32, #tpu.memory_space<hbm>>
        %dma_start3A_131 = arith.constant 0 : i32
        %dma_start3A_132 = tpu.memref_slice %arg6[%add3A_124, %dma_start3A_131] : memref<800x64xf32, #tpu.memory_space<vmem>> -> memref<1x64xf32, #tpu.memory_space<vmem>>
        %dma_start3A_133 = tpu.memref_squeeze %dma_start3A_132 : memref<1x64xf32, #tpu.memory_space<vmem>> -> memref<64xf32, #tpu.memory_space<vmem>>
        %dma_start3A_134 = arith.constant 0 : i32
        %dma_start3A_135 = tpu.memref_slice %arg3[%squeeze3A_122, %dma_start3A_134] : memref<1000000x64xf32, #tpu.memory_space<hbm>> -> memref<1x64xf32, #tpu.memory_space<hbm>>
        %dma_start3A_136 = tpu.memref_squeeze %dma_start3A_135 : memref<1x64xf32, #tpu.memory_space<hbm>> -> memref<64xf32, #tpu.memory_space<hbm>>
        tpu.enqueue_dma source(%dma_start3A_136 : memref<64xf32, #tpu.memory_space<hbm>>) target(%dma_start3A_133 : memref<64xf32, #tpu.memory_space<vmem>>) target_semaphore(%arg7 : memref<!tpu.dma_semaphore, #tpu.memory_space<semaphore_mem>>)
        %slice3A_137 = vector.extract_strided_slice %get3A_107 {offsets = [2], sizes = [1], strides = [1]} : vector<16xi32> to vector<1xi32>
        %squeeze3A_138 = vector.extract %slice3A_137[0] : i32 from vector<1xi32>
        %add3A_139 = arith.constant 2 : i32
        %add3A_140 = arith.addi %mul3A_105, %add3A_139 : i32
        %dma_start3A_141 = arith.constant 0 : i32
        %dma_start3A_142 = tpu.memref_slice %arg6[%add3A_140, %dma_start3A_141] : memref<800x64xf32, #tpu.memory_space<vmem>> -> memref<1x64xf32, #tpu.memory_space<vmem>>
        %dma_start3A_143 = tpu.memref_squeeze %dma_start3A_142 : memref<1x64xf32, #tpu.memory_space<vmem>> -> memref<64xf32, #tpu.memory_space<vmem>>
        %dma_start3A_144 = arith.constant 0 : i32
        %dma_start3A_145 = tpu.memref_slice %arg3[%squeeze3A_138, %dma_start3A_144] : memref<1000000x64xf32, #tpu.memory_space<hbm>> -> memref<1x64xf32, #tpu.memory_space<hbm>>
        %dma_start3A_146 = tpu.memref_squeeze %dma_start3A_145 : memref<1x64xf32, #tpu.memory_space<hbm>> -> memref<64xf32, #tpu.memory_space<hbm>>
        %dma_start3A_147 = arith.constant 0 : i32
        %dma_start3A_148 = tpu.memref_slice %arg6[%add3A_140, %dma_start3A_147] : memref<800x64xf32, #tpu.memory_space<vmem>> -> memref<1x64xf32, #tpu.memory_space<vmem>>
        %dma_start3A_149 = tpu.memref_squeeze %dma_start3A_148 : memref<1x64xf32, #tpu.memory_space<vmem>> -> memref<64xf32, #tpu.memory_space<vmem>>
        %dma_start3A_150 = arith.constant 0 : i32
        %dma_start3A_151 = tpu.memref_slice %arg3[%squeeze3A_138, %dma_start3A_150] : memref<1000000x64xf32, #tpu.memory_space<hbm>> -> memref<1x64xf32, #tpu.memory_space<hbm>>
        %dma_start3A_152 = tpu.memref_squeeze %dma_start3A_151 : memref<1x64xf32, #tpu.memory_space<hbm>> -> memref<64xf32, #tpu.memory_space<hbm>>
        tpu.enqueue_dma source(%dma_start3A_152 : memref<64xf32, #tpu.memory_space<hbm>>) target(%dma_start3A_149 : memref<64xf32, #tpu.memory_space<vmem>>) target_semaphore(%arg7 : memref<!tpu.dma_semaphore, #tpu.memory_space<semaphore_mem>>)
        %slice3A_153 = vector.extract_strided_slice %get3A_107 {offsets = [3], sizes = [1], strides = [1]} : vector<16xi32> to vector<1xi32>
        %squeeze3A_154 = vector.extract %slice3A_153[0] : i32 from vector<1xi32>
        %add3A_155 = arith.constant 3 : i32
        %add3A_156 = arith.addi %mul3A_105, %add3A_155 : i32
        %dma_start3A_157 = arith.constant 0 : i32
        %dma_start3A_158 = tpu.memref_slice %arg6[%add3A_156, %dma_start3A_157] : memref<800x64xf32, #tpu.memory_space<vmem>> -> memref<1x64xf32, #tpu.memory_space<vmem>>
        %dma_start3A_159 = tpu.memref_squeeze %dma_start3A_158 : memref<1x64xf32, #tpu.memory_space<vmem>> -> memref<64xf32, #tpu.memory_space<vmem>>
        %dma_start3A_160 = arith.constant 0 : i32
        %dma_start3A_161 = tpu.memref_slice %arg3[%squeeze3A_154, %dma_start3A_160] : memref<1000000x64xf32, #tpu.memory_space<hbm>> -> memref<1x64xf32, #tpu.memory_space<hbm>>
        %dma_start3A_162 = tpu.memref_squeeze %dma_start3A_161 : memref<1x64xf32, #tpu.memory_space<hbm>> -> memref<64xf32, #tpu.memory_space<hbm>>
        %dma_start3A_163 = arith.constant 0 : i32
        %dma_start3A_164 = tpu.memref_slice %arg6[%add3A_156, %dma_start3A_163] : memref<800x64xf32, #tpu.memory_space<vmem>> -> memref<1x64xf32, #tpu.memory_space<vmem>>
        %dma_start3A_165 = tpu.memref_squeeze %dma_start3A_164 : memref<1x64xf32, #tpu.memory_space<vmem>> -> memref<64xf32, #tpu.memory_space<vmem>>
        %dma_start3A_166 = arith.constant 0 : i32
        %dma_start3A_167 = tpu.memref_slice %arg3[%squeeze3A_154, %dma_start3A_166] : memref<1000000x64xf32, #tpu.memory_space<hbm>> -> memref<1x64xf32, #tpu.memory_space<hbm>>
        %dma_start3A_168 = tpu.memref_squeeze %dma_start3A_167 : memref<1x64xf32, #tpu.memory_space<hbm>> -> memref<64xf32, #tpu.memory_space<hbm>>
        tpu.enqueue_dma source(%dma_start3A_168 : memref<64xf32, #tpu.memory_space<hbm>>) target(%dma_start3A_165 : memref<64xf32, #tpu.memory_space<vmem>>) target_semaphore(%arg7 : memref<!tpu.dma_semaphore, #tpu.memory_space<semaphore_mem>>)
        %slice3A_169 = vector.extract_strided_slice %get3A_107 {offsets = [4], sizes = [1], strides = [1]} : vector<16xi32> to vector<1xi32>
        %squeeze3A_170 = vector.extract %slice3A_169[0] : i32 from vector<1xi32>
        %add3A_171 = arith.constant 4 : i32
        %add3A_172 = arith.addi %mul3A_105, %add3A_171 : i32
        %dma_start3A_173 = arith.constant 0 : i32
        %dma_start3A_174 = tpu.memref_slice %arg6[%add3A_172, %dma_start3A_173] : memref<800x64xf32, #tpu.memory_space<vmem>> -> memref<1x64xf32, #tpu.memory_space<vmem>>
        %dma_start3A_175 = tpu.memref_squeeze %dma_start3A_174 : memref<1x64xf32, #tpu.memory_space<vmem>> -> memref<64xf32, #tpu.memory_space<vmem>>
        %dma_start3A_176 = arith.constant 0 : i32
        %dma_start3A_177 = tpu.memref_slice %arg3[%squeeze3A_170, %dma_start3A_176] : memref<1000000x64xf32, #tpu.memory_space<hbm>> -> memref<1x64xf32, #tpu.memory_space<hbm>>
        %dma_start3A_178 = tpu.memref_squeeze %dma_start3A_177 : memref<1x64xf32, #tpu.memory_space<hbm>> -> memref<64xf32, #tpu.memory_space<hbm>>
        %dma_start3A_179 = arith.constant 0 : i32
        %dma_start3A_180 = tpu.memref_slice %arg6[%add3A_172, %dma_start3A_179] : memref<800x64xf32, #tpu.memory_space<vmem>> -> memref<1x64xf32, #tpu.memory_space<vmem>>
        %dma_start3A_181 = tpu.memref_squeeze %dma_start3A_180 : memref<1x64xf32, #tpu.memory_space<vmem>> -> memref<64xf32, #tpu.memory_space<vmem>>
        %dma_start3A_182 = arith.constant 0 : i32
        %dma_start3A_183 = tpu.memref_slice %arg3[%squeeze3A_170, %dma_start3A_182] : memref<1000000x64xf32, #tpu.memory_space<hbm>> -> memref<1x64xf32, #tpu.memory_space<hbm>>
        %dma_start3A_184 = tpu.memref_squeeze %dma_start3A_183 : memref<1x64xf32, #tpu.memory_space<hbm>> -> memref<64xf32, #tpu.memory_space<hbm>>
        tpu.enqueue_dma source(%dma_start3A_184 : memref<64xf32, #tpu.memory_space<hbm>>) target(%dma_start3A_181 : memref<64xf32, #tpu.memory_space<vmem>>) target_semaphore(%arg7 : memref<!tpu.dma_semaphore, #tpu.memory_space<semaphore_mem>>)
        %slice3A_185 = vector.extract_strided_slice %get3A_107 {offsets = [5], sizes = [1], strides = [1]} : vector<16xi32> to vector<1xi32>
        %squeeze3A_186 = vector.extract %slice3A_185[0] : i32 from vector<1xi32>
        %add3A_187 = arith.constant 5 : i32
        %add3A_188 = arith.addi %mul3A_105, %add3A_187 : i32
        %dma_start3A_189 = arith.constant 0 : i32
        %dma_start3A_190 = tpu.memref_slice %arg6[%add3A_188, %dma_start3A_189] : memref<800x64xf32, #tpu.memory_space<vmem>> -> memref<1x64xf32, #tpu.memory_space<vmem>>
        %dma_start3A_191 = tpu.memref_squeeze %dma_start3A_190 : memref<1x64xf32, #tpu.memory_space<vmem>> -> memref<64xf32, #tpu.memory_space<vmem>>
        %dma_start3A_192 = arith.constant 0 : i32
        %dma_start3A_193 = tpu.memref_slice %arg3[%squeeze3A_186, %dma_start3A_192] : memref<1000000x64xf32, #tpu.memory_space<hbm>> -> memref<1x64xf32, #tpu.memory_space<hbm>>
        %dma_start3A_194 = tpu.memref_squeeze %dma_start3A_193 : memref<1x64xf32, #tpu.memory_space<hbm>> -> memref<64xf32, #tpu.memory_space<hbm>>
        %dma_start3A_195 = arith.constant 0 : i32
        %dma_start3A_196 = tpu.memref_slice %arg6[%add3A_188, %dma_start3A_195] : memref<800x64xf32, #tpu.memory_space<vmem>> -> memref<1x64xf32, #tpu.memory_space<vmem>>
        %dma_start3A_197 = tpu.memref_squeeze %dma_start3A_196 : memref<1x64xf32, #tpu.memory_space<vmem>> -> memref<64xf32, #tpu.memory_space<vmem>>
        %dma_start3A_198 = arith.constant 0 : i32
        %dma_start3A_199 = tpu.memref_slice %arg3[%squeeze3A_186, %dma_start3A_198] : memref<1000000x64xf32, #tpu.memory_space<hbm>> -> memref<1x64xf32, #tpu.memory_space<hbm>>
        %dma_start3A_200 = tpu.memref_squeeze %dma_start3A_199 : memref<1x64xf32, #tpu.memory_space<hbm>> -> memref<64xf32, #tpu.memory_space<hbm>>
        tpu.enqueue_dma source(%dma_start3A_200 : memref<64xf32, #tpu.memory_space<hbm>>) target(%dma_start3A_197 : memref<64xf32, #tpu.memory_space<vmem>>) target_semaphore(%arg7 : memref<!tpu.dma_semaphore, #tpu.memory_space<semaphore_mem>>)
        %slice3A_201 = vector.extract_strided_slice %get3A_107 {offsets = [6], sizes = [1], strides = [1]} : vector<16xi32> to vector<1xi32>
        %squeeze3A_202 = vector.extract %slice3A_201[0] : i32 from vector<1xi32>
        %add3A_203 = arith.constant 6 : i32
        %add3A_204 = arith.addi %mul3A_105, %add3A_203 : i32
        %dma_start3A_205 = arith.constant 0 : i32
        %dma_start3A_206 = tpu.memref_slice %arg6[%add3A_204, %dma_start3A_205] : memref<800x64xf32, #tpu.memory_space<vmem>> -> memref<1x64xf32, #tpu.memory_space<vmem>>
        %dma_start3A_207 = tpu.memref_squeeze %dma_start3A_206 : memref<1x64xf32, #tpu.memory_space<vmem>> -> memref<64xf32, #tpu.memory_space<vmem>>
        %dma_start3A_208 = arith.constant 0 : i32
        %dma_start3A_209 = tpu.memref_slice %arg3[%squeeze3A_202, %dma_start3A_208] : memref<1000000x64xf32, #tpu.memory_space<hbm>> -> memref<1x64xf32, #tpu.memory_space<hbm>>
        %dma_start3A_210 = tpu.memref_squeeze %dma_start3A_209 : memref<1x64xf32, #tpu.memory_space<hbm>> -> memref<64xf32, #tpu.memory_space<hbm>>
        %dma_start3A_211 = arith.constant 0 : i32
        %dma_start3A_212 = tpu.memref_slice %arg6[%add3A_204, %dma_start3A_211] : memref<800x64xf32, #tpu.memory_space<vmem>> -> memref<1x64xf32, #tpu.memory_space<vmem>>
        %dma_start3A_213 = tpu.memref_squeeze %dma_start3A_212 : memref<1x64xf32, #tpu.memory_space<vmem>> -> memref<64xf32, #tpu.memory_space<vmem>>
        %dma_start3A_214 = arith.constant 0 : i32
        %dma_start3A_215 = tpu.memref_slice %arg3[%squeeze3A_202, %dma_start3A_214] : memref<1000000x64xf32, #tpu.memory_space<hbm>> -> memref<1x64xf32, #tpu.memory_space<hbm>>
        %dma_start3A_216 = tpu.memref_squeeze %dma_start3A_215 : memref<1x64xf32, #tpu.memory_space<hbm>> -> memref<64xf32, #tpu.memory_space<hbm>>
        tpu.enqueue_dma source(%dma_start3A_216 : memref<64xf32, #tpu.memory_space<hbm>>) target(%dma_start3A_213 : memref<64xf32, #tpu.memory_space<vmem>>) target_semaphore(%arg7 : memref<!tpu.dma_semaphore, #tpu.memory_space<semaphore_mem>>)
        %slice3A_217 = vector.extract_strided_slice %get3A_107 {offsets = [7], sizes = [1], strides = [1]} : vector<16xi32> to vector<1xi32>
        %squeeze3A_218 = vector.extract %slice3A_217[0] : i32 from vector<1xi32>
        %add3A_219 = arith.constant 7 : i32
        %add3A_220 = arith.addi %mul3A_105, %add3A_219 : i32
        %dma_start3A_221 = arith.constant 0 : i32
        %dma_start3A_222 = tpu.memref_slice %arg6[%add3A_220, %dma_start3A_221] : memref<800x64xf32, #tpu.memory_space<vmem>> -> memref<1x64xf32, #tpu.memory_space<vmem>>
        %dma_start3A_223 = tpu.memref_squeeze %dma_start3A_222 : memref<1x64xf32, #tpu.memory_space<vmem>> -> memref<64xf32, #tpu.memory_space<vmem>>
        %dma_start3A_224 = arith.constant 0 : i32
        %dma_start3A_225 = tpu.memref_slice %arg3[%squeeze3A_218, %dma_start3A_224] : memref<1000000x64xf32, #tpu.memory_space<hbm>> -> memref<1x64xf32, #tpu.memory_space<hbm>>
        %dma_start3A_226 = tpu.memref_squeeze %dma_start3A_225 : memref<1x64xf32, #tpu.memory_space<hbm>> -> memref<64xf32, #tpu.memory_space<hbm>>
        %dma_start3A_227 = arith.constant 0 : i32
        %dma_start3A_228 = tpu.memref_slice %arg6[%add3A_220, %dma_start3A_227] : memref<800x64xf32, #tpu.memory_space<vmem>> -> memref<1x64xf32, #tpu.memory_space<vmem>>
        %dma_start3A_229 = tpu.memref_squeeze %dma_start3A_228 : memref<1x64xf32, #tpu.memory_space<vmem>> -> memref<64xf32, #tpu.memory_space<vmem>>
        %dma_start3A_230 = arith.constant 0 : i32
        %dma_start3A_231 = tpu.memref_slice %arg3[%squeeze3A_218, %dma_start3A_230] : memref<1000000x64xf32, #tpu.memory_space<hbm>> -> memref<1x64xf32, #tpu.memory_space<hbm>>
        %dma_start3A_232 = tpu.memref_squeeze %dma_start3A_231 : memref<1x64xf32, #tpu.memory_space<hbm>> -> memref<64xf32, #tpu.memory_space<hbm>>
        tpu.enqueue_dma source(%dma_start3A_232 : memref<64xf32, #tpu.memory_space<hbm>>) target(%dma_start3A_229 : memref<64xf32, #tpu.memory_space<vmem>>) target_semaphore(%arg7 : memref<!tpu.dma_semaphore, #tpu.memory_space<semaphore_mem>>)
        %slice3A_233 = vector.extract_strided_slice %get3A_107 {offsets = [8], sizes = [1], strides = [1]} : vector<16xi32> to vector<1xi32>
        %squeeze3A_234 = vector.extract %slice3A_233[0] : i32 from vector<1xi32>
        %add3A_235 = arith.constant 8 : i32
        %add3A_236 = arith.addi %mul3A_105, %add3A_235 : i32
        %dma_start3A_237 = arith.constant 0 : i32
        %dma_start3A_238 = tpu.memref_slice %arg6[%add3A_236, %dma_start3A_237] : memref<800x64xf32, #tpu.memory_space<vmem>> -> memref<1x64xf32, #tpu.memory_space<vmem>>
        %dma_start3A_239 = tpu.memref_squeeze %dma_start3A_238 : memref<1x64xf32, #tpu.memory_space<vmem>> -> memref<64xf32, #tpu.memory_space<vmem>>
        %dma_start3A_240 = arith.constant 0 : i32
        %dma_start3A_241 = tpu.memref_slice %arg3[%squeeze3A_234, %dma_start3A_240] : memref<1000000x64xf32, #tpu.memory_space<hbm>> -> memref<1x64xf32, #tpu.memory_space<hbm>>
        %dma_start3A_242 = tpu.memref_squeeze %dma_start3A_241 : memref<1x64xf32, #tpu.memory_space<hbm>> -> memref<64xf32, #tpu.memory_space<hbm>>
        %dma_start3A_243 = arith.constant 0 : i32
        %dma_start3A_244 = tpu.memref_slice %arg6[%add3A_236, %dma_start3A_243] : memref<800x64xf32, #tpu.memory_space<vmem>> -> memref<1x64xf32, #tpu.memory_space<vmem>>
        %dma_start3A_245 = tpu.memref_squeeze %dma_start3A_244 : memref<1x64xf32, #tpu.memory_space<vmem>> -> memref<64xf32, #tpu.memory_space<vmem>>
        %dma_start3A_246 = arith.constant 0 : i32
        %dma_start3A_247 = tpu.memref_slice %arg3[%squeeze3A_234, %dma_start3A_246] : memref<1000000x64xf32, #tpu.memory_space<hbm>> -> memref<1x64xf32, #tpu.memory_space<hbm>>
        %dma_start3A_248 = tpu.memref_squeeze %dma_start3A_247 : memref<1x64xf32, #tpu.memory_space<hbm>> -> memref<64xf32, #tpu.memory_space<hbm>>
        tpu.enqueue_dma source(%dma_start3A_248 : memref<64xf32, #tpu.memory_space<hbm>>) target(%dma_start3A_245 : memref<64xf32, #tpu.memory_space<vmem>>) target_semaphore(%arg7 : memref<!tpu.dma_semaphore, #tpu.memory_space<semaphore_mem>>)
        %slice3A_249 = vector.extract_strided_slice %get3A_107 {offsets = [9], sizes = [1], strides = [1]} : vector<16xi32> to vector<1xi32>
        %squeeze3A_250 = vector.extract %slice3A_249[0] : i32 from vector<1xi32>
        %add3A_251 = arith.constant 9 : i32
        %add3A_252 = arith.addi %mul3A_105, %add3A_251 : i32
        %dma_start3A_253 = arith.constant 0 : i32
        %dma_start3A_254 = tpu.memref_slice %arg6[%add3A_252, %dma_start3A_253] : memref<800x64xf32, #tpu.memory_space<vmem>> -> memref<1x64xf32, #tpu.memory_space<vmem>>
        %dma_start3A_255 = tpu.memref_squeeze %dma_start3A_254 : memref<1x64xf32, #tpu.memory_space<vmem>> -> memref<64xf32, #tpu.memory_space<vmem>>
        %dma_start3A_256 = arith.constant 0 : i32
        %dma_start3A_257 = tpu.memref_slice %arg3[%squeeze3A_250, %dma_start3A_256] : memref<1000000x64xf32, #tpu.memory_space<hbm>> -> memref<1x64xf32, #tpu.memory_space<hbm>>
        %dma_start3A_258 = tpu.memref_squeeze %dma_start3A_257 : memref<1x64xf32, #tpu.memory_space<hbm>> -> memref<64xf32, #tpu.memory_space<hbm>>
        %dma_start3A_259 = arith.constant 0 : i32
        %dma_start3A_260 = tpu.memref_slice %arg6[%add3A_252, %dma_start3A_259] : memref<800x64xf32, #tpu.memory_space<vmem>> -> memref<1x64xf32, #tpu.memory_space<vmem>>
        %dma_start3A_261 = tpu.memref_squeeze %dma_start3A_260 : memref<1x64xf32, #tpu.memory_space<vmem>> -> memref<64xf32, #tpu.memory_space<vmem>>
        %dma_start3A_262 = arith.constant 0 : i32
        %dma_start3A_263 = tpu.memref_slice %arg3[%squeeze3A_250, %dma_start3A_262] : memref<1000000x64xf32, #tpu.memory_space<hbm>> -> memref<1x64xf32, #tpu.memory_space<hbm>>
        %dma_start3A_264 = tpu.memref_squeeze %dma_start3A_263 : memref<1x64xf32, #tpu.memory_space<hbm>> -> memref<64xf32, #tpu.memory_space<hbm>>
        tpu.enqueue_dma source(%dma_start3A_264 : memref<64xf32, #tpu.memory_space<hbm>>) target(%dma_start3A_261 : memref<64xf32, #tpu.memory_space<vmem>>) target_semaphore(%arg7 : memref<!tpu.dma_semaphore, #tpu.memory_space<semaphore_mem>>)
        %slice3A_265 = vector.extract_strided_slice %get3A_107 {offsets = [10], sizes = [1], strides = [1]} : vector<16xi32> to vector<1xi32>
        %squeeze3A_266 = vector.extract %slice3A_265[0] : i32 from vector<1xi32>
        %add3A_267 = arith.constant 10 : i32
        %add3A_268 = arith.addi %mul3A_105, %add3A_267 : i32
        %dma_start3A_269 = arith.constant 0 : i32
        %dma_start3A_270 = tpu.memref_slice %arg6[%add3A_268, %dma_start3A_269] : memref<800x64xf32, #tpu.memory_space<vmem>> -> memref<1x64xf32, #tpu.memory_space<vmem>>
        %dma_start3A_271 = tpu.memref_squeeze %dma_start3A_270 : memref<1x64xf32, #tpu.memory_space<vmem>> -> memref<64xf32, #tpu.memory_space<vmem>>
        %dma_start3A_272 = arith.constant 0 : i32
        %dma_start3A_273 = tpu.memref_slice %arg3[%squeeze3A_266, %dma_start3A_272] : memref<1000000x64xf32, #tpu.memory_space<hbm>> -> memref<1x64xf32, #tpu.memory_space<hbm>>
        %dma_start3A_274 = tpu.memref_squeeze %dma_start3A_273 : memref<1x64xf32, #tpu.memory_space<hbm>> -> memref<64xf32, #tpu.memory_space<hbm>>
        %dma_start3A_275 = arith.constant 0 : i32
        %dma_start3A_276 = tpu.memref_slice %arg6[%add3A_268, %dma_start3A_275] : memref<800x64xf32, #tpu.memory_space<vmem>> -> memref<1x64xf32, #tpu.memory_space<vmem>>
        %dma_start3A_277 = tpu.memref_squeeze %dma_start3A_276 : memref<1x64xf32, #tpu.memory_space<vmem>> -> memref<64xf32, #tpu.memory_space<vmem>>
        %dma_start3A_278 = arith.constant 0 : i32
        %dma_start3A_279 = tpu.memref_slice %arg3[%squeeze3A_266, %dma_start3A_278] : memref<1000000x64xf32, #tpu.memory_space<hbm>> -> memref<1x64xf32, #tpu.memory_space<hbm>>
        %dma_start3A_280 = tpu.memref_squeeze %dma_start3A_279 : memref<1x64xf32, #tpu.memory_space<hbm>> -> memref<64xf32, #tpu.memory_space<hbm>>
        tpu.enqueue_dma source(%dma_start3A_280 : memref<64xf32, #tpu.memory_space<hbm>>) target(%dma_start3A_277 : memref<64xf32, #tpu.memory_space<vmem>>) target_semaphore(%arg7 : memref<!tpu.dma_semaphore, #tpu.memory_space<semaphore_mem>>)
        %slice3A_281 = vector.extract_strided_slice %get3A_107 {offsets = [11], sizes = [1], strides = [1]} : vector<16xi32> to vector<1xi32>
        %squeeze3A_282 = vector.extract %slice3A_281[0] : i32 from vector<1xi32>
        %add3A_283 = arith.constant 11 : i32
        %add3A_284 = arith.addi %mul3A_105, %add3A_283 : i32
        %dma_start3A_285 = arith.constant 0 : i32
        %dma_start3A_286 = tpu.memref_slice %arg6[%add3A_284, %dma_start3A_285] : memref<800x64xf32, #tpu.memory_space<vmem>> -> memref<1x64xf32, #tpu.memory_space<vmem>>
        %dma_start3A_287 = tpu.memref_squeeze %dma_start3A_286 : memref<1x64xf32, #tpu.memory_space<vmem>> -> memref<64xf32, #tpu.memory_space<vmem>>
        %dma_start3A_288 = arith.constant 0 : i32
        %dma_start3A_289 = tpu.memref_slice %arg3[%squeeze3A_282, %dma_start3A_288] : memref<1000000x64xf32, #tpu.memory_space<hbm>> -> memref<1x64xf32, #tpu.memory_space<hbm>>
        %dma_start3A_290 = tpu.memref_squeeze %dma_start3A_289 : memref<1x64xf32, #tpu.memory_space<hbm>> -> memref<64xf32, #tpu.memory_space<hbm>>
        %dma_start3A_291 = arith.constant 0 : i32
        %dma_start3A_292 = tpu.memref_slice %arg6[%add3A_284, %dma_start3A_291] : memref<800x64xf32, #tpu.memory_space<vmem>> -> memref<1x64xf32, #tpu.memory_space<vmem>>
        %dma_start3A_293 = tpu.memref_squeeze %dma_start3A_292 : memref<1x64xf32, #tpu.memory_space<vmem>> -> memref<64xf32, #tpu.memory_space<vmem>>
        %dma_start3A_294 = arith.constant 0 : i32
        %dma_start3A_295 = tpu.memref_slice %arg3[%squeeze3A_282, %dma_start3A_294] : memref<1000000x64xf32, #tpu.memory_space<hbm>> -> memref<1x64xf32, #tpu.memory_space<hbm>>
        %dma_start3A_296 = tpu.memref_squeeze %dma_start3A_295 : memref<1x64xf32, #tpu.memory_space<hbm>> -> memref<64xf32, #tpu.memory_space<hbm>>
        tpu.enqueue_dma source(%dma_start3A_296 : memref<64xf32, #tpu.memory_space<hbm>>) target(%dma_start3A_293 : memref<64xf32, #tpu.memory_space<vmem>>) target_semaphore(%arg7 : memref<!tpu.dma_semaphore, #tpu.memory_space<semaphore_mem>>)
        %slice3A_297 = vector.extract_strided_slice %get3A_107 {offsets = [12], sizes = [1], strides = [1]} : vector<16xi32> to vector<1xi32>
        %squeeze3A_298 = vector.extract %slice3A_297[0] : i32 from vector<1xi32>
        %add3A_299 = arith.constant 12 : i32
        %add3A_300 = arith.addi %mul3A_105, %add3A_299 : i32
        %dma_start3A_301 = arith.constant 0 : i32
        %dma_start3A_302 = tpu.memref_slice %arg6[%add3A_300, %dma_start3A_301] : memref<800x64xf32, #tpu.memory_space<vmem>> -> memref<1x64xf32, #tpu.memory_space<vmem>>
        %dma_start3A_303 = tpu.memref_squeeze %dma_start3A_302 : memref<1x64xf32, #tpu.memory_space<vmem>> -> memref<64xf32, #tpu.memory_space<vmem>>
        %dma_start3A_304 = arith.constant 0 : i32
        %dma_start3A_305 = tpu.memref_slice %arg3[%squeeze3A_298, %dma_start3A_304] : memref<1000000x64xf32, #tpu.memory_space<hbm>> -> memref<1x64xf32, #tpu.memory_space<hbm>>
        %dma_start3A_306 = tpu.memref_squeeze %dma_start3A_305 : memref<1x64xf32, #tpu.memory_space<hbm>> -> memref<64xf32, #tpu.memory_space<hbm>>
        %dma_start3A_307 = arith.constant 0 : i32
        %dma_start3A_308 = tpu.memref_slice %arg6[%add3A_300, %dma_start3A_307] : memref<800x64xf32, #tpu.memory_space<vmem>> -> memref<1x64xf32, #tpu.memory_space<vmem>>
        %dma_start3A_309 = tpu.memref_squeeze %dma_start3A_308 : memref<1x64xf32, #tpu.memory_space<vmem>> -> memref<64xf32, #tpu.memory_space<vmem>>
        %dma_start3A_310 = arith.constant 0 : i32
        %dma_start3A_311 = tpu.memref_slice %arg3[%squeeze3A_298, %dma_start3A_310] : memref<1000000x64xf32, #tpu.memory_space<hbm>> -> memref<1x64xf32, #tpu.memory_space<hbm>>
        %dma_start3A_312 = tpu.memref_squeeze %dma_start3A_311 : memref<1x64xf32, #tpu.memory_space<hbm>> -> memref<64xf32, #tpu.memory_space<hbm>>
        tpu.enqueue_dma source(%dma_start3A_312 : memref<64xf32, #tpu.memory_space<hbm>>) target(%dma_start3A_309 : memref<64xf32, #tpu.memory_space<vmem>>) target_semaphore(%arg7 : memref<!tpu.dma_semaphore, #tpu.memory_space<semaphore_mem>>)
        %slice3A_313 = vector.extract_strided_slice %get3A_107 {offsets = [13], sizes = [1], strides = [1]} : vector<16xi32> to vector<1xi32>
        %squeeze3A_314 = vector.extract %slice3A_313[0] : i32 from vector<1xi32>
        %add3A_315 = arith.constant 13 : i32
        %add3A_316 = arith.addi %mul3A_105, %add3A_315 : i32
        %dma_start3A_317 = arith.constant 0 : i32
        %dma_start3A_318 = tpu.memref_slice %arg6[%add3A_316, %dma_start3A_317] : memref<800x64xf32, #tpu.memory_space<vmem>> -> memref<1x64xf32, #tpu.memory_space<vmem>>
        %dma_start3A_319 = tpu.memref_squeeze %dma_start3A_318 : memref<1x64xf32, #tpu.memory_space<vmem>> -> memref<64xf32, #tpu.memory_space<vmem>>
        %dma_start3A_320 = arith.constant 0 : i32
        %dma_start3A_321 = tpu.memref_slice %arg3[%squeeze3A_314, %dma_start3A_320] : memref<1000000x64xf32, #tpu.memory_space<hbm>> -> memref<1x64xf32, #tpu.memory_space<hbm>>
        %dma_start3A_322 = tpu.memref_squeeze %dma_start3A_321 : memref<1x64xf32, #tpu.memory_space<hbm>> -> memref<64xf32, #tpu.memory_space<hbm>>
        %dma_start3A_323 = arith.constant 0 : i32
        %dma_start3A_324 = tpu.memref_slice %arg6[%add3A_316, %dma_start3A_323] : memref<800x64xf32, #tpu.memory_space<vmem>> -> memref<1x64xf32, #tpu.memory_space<vmem>>
        %dma_start3A_325 = tpu.memref_squeeze %dma_start3A_324 : memref<1x64xf32, #tpu.memory_space<vmem>> -> memref<64xf32, #tpu.memory_space<vmem>>
        %dma_start3A_326 = arith.constant 0 : i32
        %dma_start3A_327 = tpu.memref_slice %arg3[%squeeze3A_314, %dma_start3A_326] : memref<1000000x64xf32, #tpu.memory_space<hbm>> -> memref<1x64xf32, #tpu.memory_space<hbm>>
        %dma_start3A_328 = tpu.memref_squeeze %dma_start3A_327 : memref<1x64xf32, #tpu.memory_space<hbm>> -> memref<64xf32, #tpu.memory_space<hbm>>
        tpu.enqueue_dma source(%dma_start3A_328 : memref<64xf32, #tpu.memory_space<hbm>>) target(%dma_start3A_325 : memref<64xf32, #tpu.memory_space<vmem>>) target_semaphore(%arg7 : memref<!tpu.dma_semaphore, #tpu.memory_space<semaphore_mem>>)
        %slice3A_329 = vector.extract_strided_slice %get3A_107 {offsets = [14], sizes = [1], strides = [1]} : vector<16xi32> to vector<1xi32>
        %squeeze3A_330 = vector.extract %slice3A_329[0] : i32 from vector<1xi32>
        %add3A_331 = arith.constant 14 : i32
        %add3A_332 = arith.addi %mul3A_105, %add3A_331 : i32
        %dma_start3A_333 = arith.constant 0 : i32
        %dma_start3A_334 = tpu.memref_slice %arg6[%add3A_332, %dma_start3A_333] : memref<800x64xf32, #tpu.memory_space<vmem>> -> memref<1x64xf32, #tpu.memory_space<vmem>>
        %dma_start3A_335 = tpu.memref_squeeze %dma_start3A_334 : memref<1x64xf32, #tpu.memory_space<vmem>> -> memref<64xf32, #tpu.memory_space<vmem>>
        %dma_start3A_336 = arith.constant 0 : i32
        %dma_start3A_337 = tpu.memref_slice %arg3[%squeeze3A_330, %dma_start3A_336] : memref<1000000x64xf32, #tpu.memory_space<hbm>> -> memref<1x64xf32, #tpu.memory_space<hbm>>
        %dma_start3A_338 = tpu.memref_squeeze %dma_start3A_337 : memref<1x64xf32, #tpu.memory_space<hbm>> -> memref<64xf32, #tpu.memory_space<hbm>>
        %dma_start3A_339 = arith.constant 0 : i32
        %dma_start3A_340 = tpu.memref_slice %arg6[%add3A_332, %dma_start3A_339] : memref<800x64xf32, #tpu.memory_space<vmem>> -> memref<1x64xf32, #tpu.memory_space<vmem>>
        %dma_start3A_341 = tpu.memref_squeeze %dma_start3A_340 : memref<1x64xf32, #tpu.memory_space<vmem>> -> memref<64xf32, #tpu.memory_space<vmem>>
        %dma_start3A_342 = arith.constant 0 : i32
        %dma_start3A_343 = tpu.memref_slice %arg3[%squeeze3A_330, %dma_start3A_342] : memref<1000000x64xf32, #tpu.memory_space<hbm>> -> memref<1x64xf32, #tpu.memory_space<hbm>>
        %dma_start3A_344 = tpu.memref_squeeze %dma_start3A_343 : memref<1x64xf32, #tpu.memory_space<hbm>> -> memref<64xf32, #tpu.memory_space<hbm>>
        tpu.enqueue_dma source(%dma_start3A_344 : memref<64xf32, #tpu.memory_space<hbm>>) target(%dma_start3A_341 : memref<64xf32, #tpu.memory_space<vmem>>) target_semaphore(%arg7 : memref<!tpu.dma_semaphore, #tpu.memory_space<semaphore_mem>>)
        %slice3A_345 = vector.extract_strided_slice %get3A_107 {offsets = [15], sizes = [1], strides = [1]} : vector<16xi32> to vector<1xi32>
        %squeeze3A_346 = vector.extract %slice3A_345[0] : i32 from vector<1xi32>
        %add3A_347 = arith.constant 15 : i32
        %add3A_348 = arith.addi %mul3A_105, %add3A_347 : i32
        %dma_start3A_349 = arith.constant 0 : i32
        %dma_start3A_350 = tpu.memref_slice %arg6[%add3A_348, %dma_start3A_349] : memref<800x64xf32, #tpu.memory_space<vmem>> -> memref<1x64xf32, #tpu.memory_space<vmem>>
        %dma_start3A_351 = tpu.memref_squeeze %dma_start3A_350 : memref<1x64xf32, #tpu.memory_space<vmem>> -> memref<64xf32, #tpu.memory_space<vmem>>
        %dma_start3A_352 = arith.constant 0 : i32
        %dma_start3A_353 = tpu.memref_slice %arg3[%squeeze3A_346, %dma_start3A_352] : memref<1000000x64xf32, #tpu.memory_space<hbm>> -> memref<1x64xf32, #tpu.memory_space<hbm>>
        %dma_start3A_354 = tpu.memref_squeeze %dma_start3A_353 : memref<1x64xf32, #tpu.memory_space<hbm>> -> memref<64xf32, #tpu.memory_space<hbm>>
        %dma_start3A_355 = arith.constant 0 : i32
        %dma_start3A_356 = tpu.memref_slice %arg6[%add3A_348, %dma_start3A_355] : memref<800x64xf32, #tpu.memory_space<vmem>> -> memref<1x64xf32, #tpu.memory_space<vmem>>
        %dma_start3A_357 = tpu.memref_squeeze %dma_start3A_356 : memref<1x64xf32, #tpu.memory_space<vmem>> -> memref<64xf32, #tpu.memory_space<vmem>>
        %dma_start3A_358 = arith.constant 0 : i32
        %dma_start3A_359 = tpu.memref_slice %arg3[%squeeze3A_346, %dma_start3A_358] : memref<1000000x64xf32, #tpu.memory_space<hbm>> -> memref<1x64xf32, #tpu.memory_space<hbm>>
        %dma_start3A_360 = tpu.memref_squeeze %dma_start3A_359 : memref<1x64xf32, #tpu.memory_space<hbm>> -> memref<64xf32, #tpu.memory_space<hbm>>
        tpu.enqueue_dma source(%dma_start3A_360 : memref<64xf32, #tpu.memory_space<hbm>>) target(%dma_start3A_357 : memref<64xf32, #tpu.memory_space<vmem>>) target_semaphore(%arg7 : memref<!tpu.dma_semaphore, #tpu.memory_space<semaphore_mem>>)
        %scan3A_361 = arith.constant 0 : i32
        scf.yield %scan3A_361 : i32
      }
      %scan3A_22 = arith.constant 50 : i32
      %add3A_23 = arith.constant 0 : i32
      %add3A_24 = arith.addi %add3A_13, %add3A_23 : i32
      %dma_wait3A = arith.constant 0 : i32
      %dma_wait3A_25 = arith.constant 0 : i32
      %dma_wait3A_26 = tpu.memref_slice %arg6[%dma_wait3A, %dma_wait3A_25] : memref<800x64xf32, #tpu.memory_space<vmem>> -> memref<200x64xf32, #tpu.memory_space<vmem>>
      %dma_wait3A_27 = arith.constant 0 : i32
      %dma_wait3A_28 = arith.constant 0 : i32
      %dma_wait3A_29 = tpu.memref_slice %arg4[%add3A_24, %dma_wait3A_27, %dma_wait3A_28] : memref<4096x200x64xf32, #tpu.memory_space<hbm>> -> memref<1x200x64xf32, #tpu.memory_space<hbm>>
      %dma_wait3A_30 = tpu.memref_squeeze %dma_wait3A_29 : memref<1x200x64xf32, #tpu.memory_space<hbm>> -> memref<200x64xf32, #tpu.memory_space<hbm>>
      %dma_wait3A_31 = arith.constant 0 : i32
      %dma_wait3A_32 = arith.constant 0 : i32
      %dma_wait3A_33 = tpu.memref_slice %arg6[%dma_wait3A_31, %dma_wait3A_32] : memref<800x64xf32, #tpu.memory_space<vmem>> -> memref<200x64xf32, #tpu.memory_space<vmem>>
      %dma_wait3A_34 = arith.constant 0 : i32
      %dma_wait3A_35 = arith.constant 0 : i32
      %dma_wait3A_36 = tpu.memref_slice %arg4[%add3A_24, %dma_wait3A_34, %dma_wait3A_35] : memref<4096x200x64xf32, #tpu.memory_space<hbm>> -> memref<1x200x64xf32, #tpu.memory_space<hbm>>
      %dma_wait3A_37 = tpu.memref_squeeze %dma_wait3A_36 : memref<1x200x64xf32, #tpu.memory_space<hbm>> -> memref<200x64xf32, #tpu.memory_space<hbm>>
      tpu.wait_dma2 semaphore(%arg7 : memref<!tpu.dma_semaphore, #tpu.memory_space<semaphore_mem>>) src(%dma_wait3A_37 : memref<200x64xf32, #tpu.memory_space<hbm>>) dst(%dma_wait3A_33 : memref<200x64xf32, #tpu.memory_space<vmem>>)
      %add3A_38 = arith.constant 1 : i32
      %add3A_39 = arith.addi %add3A_13, %add3A_38 : i32
      %dma_wait3A_40 = arith.constant 200 : i32
      %dma_wait3A_41 = arith.constant 0 : i32
      %dma_wait3A_42 = tpu.memref_slice %arg6[%dma_wait3A_40, %dma_wait3A_41] : memref<800x64xf32, #tpu.memory_space<vmem>> -> memref<200x64xf32, #tpu.memory_space<vmem>>
      %dma_wait3A_43 = arith.constant 0 : i32
      %dma_wait3A_44 = arith.constant 0 : i32
      %dma_wait3A_45 = tpu.memref_slice %arg4[%add3A_39, %dma_wait3A_43, %dma_wait3A_44] : memref<4096x200x64xf32, #tpu.memory_space<hbm>> -> memref<1x200x64xf32, #tpu.memory_space<hbm>>
      %dma_wait3A_46 = tpu.memref_squeeze %dma_wait3A_45 : memref<1x200x64xf32, #tpu.memory_space<hbm>> -> memref<200x64xf32, #tpu.memory_space<hbm>>
      %dma_wait3A_47 = arith.constant 200 : i32
      %dma_wait3A_48 = arith.constant 0 : i32
      %dma_wait3A_49 = tpu.memref_slice %arg6[%dma_wait3A_47, %dma_wait3A_48] : memref<800x64xf32, #tpu.memory_space<vmem>> -> memref<200x64xf32, #tpu.memory_space<vmem>>
      %dma_wait3A_50 = arith.constant 0 : i32
      %dma_wait3A_51 = arith.constant 0 : i32
      %dma_wait3A_52 = tpu.memref_slice %arg4[%add3A_39, %dma_wait3A_50, %dma_wait3A_51] : memref<4096x200x64xf32, #tpu.memory_space<hbm>> -> memref<1x200x64xf32, #tpu.memory_space<hbm>>
      %dma_wait3A_53 = tpu.memref_squeeze %dma_wait3A_52 : memref<1x200x64xf32, #tpu.memory_space<hbm>> -> memref<200x64xf32, #tpu.memory_space<hbm>>
      tpu.wait_dma2 semaphore(%arg7 : memref<!tpu.dma_semaphore, #tpu.memory_space<semaphore_mem>>) src(%dma_wait3A_53 : memref<200x64xf32, #tpu.memory_space<hbm>>) dst(%dma_wait3A_49 : memref<200x64xf32, #tpu.memory_space<vmem>>)
      %add3A_54 = arith.constant 2 : i32
      %add3A_55 = arith.addi %add3A_13, %add3A_54 : i32
      %dma_wait3A_56 = arith.constant 400 : i32
      %dma_wait3A_57 = arith.constant 0 : i32
      %dma_wait3A_58 = tpu.memref_slice %arg6[%dma_wait3A_56, %dma_wait3A_57] : memref<800x64xf32, #tpu.memory_space<vmem>> -> memref<200x64xf32, #tpu.memory_space<vmem>>
      %dma_wait3A_59 = arith.constant 0 : i32
      %dma_wait3A_60 = arith.constant 0 : i32
      %dma_wait3A_61 = tpu.memref_slice %arg4[%add3A_55, %dma_wait3A_59, %dma_wait3A_60] : memref<4096x200x64xf32, #tpu.memory_space<hbm>> -> memref<1x200x64xf32, #tpu.memory_space<hbm>>
      %dma_wait3A_62 = tpu.memref_squeeze %dma_wait3A_61 : memref<1x200x64xf32, #tpu.memory_space<hbm>> -> memref<200x64xf32, #tpu.memory_space<hbm>>
      %dma_wait3A_63 = arith.constant 400 : i32
      %dma_wait3A_64 = arith.constant 0 : i32
      %dma_wait3A_65 = tpu.memref_slice %arg6[%dma_wait3A_63, %dma_wait3A_64] : memref<800x64xf32, #tpu.memory_space<vmem>> -> memref<200x64xf32, #tpu.memory_space<vmem>>
      %dma_wait3A_66 = arith.constant 0 : i32
      %dma_wait3A_67 = arith.constant 0 : i32
      %dma_wait3A_68 = tpu.memref_slice %arg4[%add3A_55, %dma_wait3A_66, %dma_wait3A_67] : memref<4096x200x64xf32, #tpu.memory_space<hbm>> -> memref<1x200x64xf32, #tpu.memory_space<hbm>>
      %dma_wait3A_69 = tpu.memref_squeeze %dma_wait3A_68 : memref<1x200x64xf32, #tpu.memory_space<hbm>> -> memref<200x64xf32, #tpu.memory_space<hbm>>
      tpu.wait_dma2 semaphore(%arg7 : memref<!tpu.dma_semaphore, #tpu.memory_space<semaphore_mem>>) src(%dma_wait3A_69 : memref<200x64xf32, #tpu.memory_space<hbm>>) dst(%dma_wait3A_65 : memref<200x64xf32, #tpu.memory_space<vmem>>)
      %add3A_70 = arith.constant 3 : i32
      %add3A_71 = arith.addi %add3A_13, %add3A_70 : i32
      %dma_wait3A_72 = arith.constant 600 : i32
      %dma_wait3A_73 = arith.constant 0 : i32
      %dma_wait3A_74 = tpu.memref_slice %arg6[%dma_wait3A_72, %dma_wait3A_73] : memref<800x64xf32, #tpu.memory_space<vmem>> -> memref<200x64xf32, #tpu.memory_space<vmem>>
      %dma_wait3A_75 = arith.constant 0 : i32
      %dma_wait3A_76 = arith.constant 0 : i32
      %dma_wait3A_77 = tpu.memref_slice %arg4[%add3A_71, %dma_wait3A_75, %dma_wait3A_76] : memref<4096x200x64xf32, #tpu.memory_space<hbm>> -> memref<1x200x64xf32, #tpu.memory_space<hbm>>
      %dma_wait3A_78 = tpu.memref_squeeze %dma_wait3A_77 : memref<1x200x64xf32, #tpu.memory_space<hbm>> -> memref<200x64xf32, #tpu.memory_space<hbm>>
      %dma_wait3A_79 = arith.constant 600 : i32
      %dma_wait3A_80 = arith.constant 0 : i32
      %dma_wait3A_81 = tpu.memref_slice %arg6[%dma_wait3A_79, %dma_wait3A_80] : memref<800x64xf32, #tpu.memory_space<vmem>> -> memref<200x64xf32, #tpu.memory_space<vmem>>
      %dma_wait3A_82 = arith.constant 0 : i32
      %dma_wait3A_83 = arith.constant 0 : i32
      %dma_wait3A_84 = tpu.memref_slice %arg4[%add3A_71, %dma_wait3A_82, %dma_wait3A_83] : memref<4096x200x64xf32, #tpu.memory_space<hbm>> -> memref<1x200x64xf32, #tpu.memory_space<hbm>>
      %dma_wait3A_85 = tpu.memref_squeeze %dma_wait3A_84 : memref<1x200x64xf32, #tpu.memory_space<hbm>> -> memref<200x64xf32, #tpu.memory_space<hbm>>
      tpu.wait_dma2 semaphore(%arg7 : memref<!tpu.dma_semaphore, #tpu.memory_space<semaphore_mem>>) src(%dma_wait3A_85 : memref<200x64xf32, #tpu.memory_space<hbm>>) dst(%dma_wait3A_81 : memref<200x64xf32, #tpu.memory_space<vmem>>)
      %scan3A_86 = arith.constant 0 : i32
      %scan3A_87 = arith.constant 0 : i32
      %scan3A_88 = arith.constant 800 : i32
      %scan3A_89 = arith.addi %scan3A_87, %scan3A_88 : i32
      %scan3A_90 = arith.constant 1 : i32
      %scan3A_91 = scf.for %scan3A_102 = %scan3A_87 to %scan3A_89 step %scan3A_90 iter_args(%scan3A_103 = %scan3A_86) -> (i32)  : i32 {
        %get3A = arith.index_cast %scan3A_102 : i32 to index
        %get3A_104 = arith.constant 0 : index
        %get3A_105 = tpu.vector_load %arg6[%get3A, %get3A_104] {strides = array<i32>} : memref<800x64xf32, #tpu.memory_space<vmem>>, vector<1x16xf32>,
        %get3A_106 = vector.shape_cast %get3A_105 : vector<1x16xf32> to vector<16xf32>
        %mul3A_107 = arith.constant 8.000000e+00 : f32
        %mul3A_108 = vector.broadcast %mul3A_107 : f32 to vector<16xf32>
        %mul3A_109 = arith.mulf %get3A_106, %mul3A_108 : vector<16xf32>
        %swap3A = arith.index_cast %scan3A_102 : i32 to index
        %swap3A_110 = arith.constant 0 : index
        %swap3A_111 = tpu.vector_load %arg6[%swap3A, %swap3A_110] {strides = array<i32>} : memref<800x64xf32, #tpu.memory_space<vmem>>, vector<1x16xf32>,
        %swap3A_112 = vector.shape_cast %swap3A_111 : vector<1x16xf32> to vector<16xf32>
        %swap3A_113 = vector.shape_cast %mul3A_109 : vector<16xf32> to vector<1x16xf32>
        tpu.vector_store %arg6[%swap3A, %swap3A_110], %swap3A_113 {strides = array<i32>} : memref<800x64xf32, #tpu.memory_space<vmem>>, vector<1x16xf32>,
        %get3A_114 = arith.index_cast %scan3A_102 : i32 to index
        %get3A_115 = arith.constant 16 : index
        %get3A_116 = tpu.vector_load %arg6[%get3A_114, %get3A_115] {strides = array<i32>} : memref<800x64xf32, #tpu.memory_space<vmem>>, vector<1x16xf32>,
        %get3A_117 = vector.shape_cast %get3A_116 : vector<1x16xf32> to vector<16xf32>
        %mul3A_118 = arith.constant 8.000000e+00 : f32
        %mul3A_119 = vector.broadcast %mul3A_118 : f32 to vector<16xf32>
        %mul3A_120 = arith.mulf %get3A_117, %mul3A_119 : vector<16xf32>
        %swap3A_121 = arith.index_cast %scan3A_102 : i32 to index
        %swap3A_122 = arith.constant 16 : index
        %swap3A_123 = tpu.vector_load %arg6[%swap3A_121, %swap3A_122] {strides = array<i32>} : memref<800x64xf32, #tpu.memory_space<vmem>>, vector<1x16xf32>,
        %swap3A_124 = vector.shape_cast %swap3A_123 : vector<1x16xf32> to vector<16xf32>
        %swap3A_125 = vector.shape_cast %mul3A_120 : vector<16xf32> to vector<1x16xf32>
        tpu.vector_store %arg6[%swap3A_121, %swap3A_122], %swap3A_125 {strides = array<i32>} : memref<800x64xf32, #tpu.memory_space<vmem>>, vector<1x16xf32>,
        %get3A_126 = arith.index_cast %scan3A_102 : i32 to index
        %get3A_127 = arith.constant 32 : index
        %get3A_128 = tpu.vector_load %arg6[%get3A_126, %get3A_127] {strides = array<i32>} : memref<800x64xf32, #tpu.memory_space<vmem>>, vector<1x16xf32>,
        %get3A_129 = vector.shape_cast %get3A_128 : vector<1x16xf32> to vector<16xf32>
        %mul3A_130 = arith.constant 8.000000e+00 : f32
        %mul3A_131 = vector.broadcast %mul3A_130 : f32 to vector<16xf32>
        %mul3A_132 = arith.mulf %get3A_129, %mul3A_131 : vector<16xf32>
        %swap3A_133 = arith.index_cast %scan3A_102 : i32 to index
        %swap3A_134 = arith.constant 32 : index
        %swap3A_135 = tpu.vector_load %arg6[%swap3A_133, %swap3A_134] {strides = array<i32>} : memref<800x64xf32, #tpu.memory_space<vmem>>, vector<1x16xf32>,
        %swap3A_136 = vector.shape_cast %swap3A_135 : vector<1x16xf32> to vector<16xf32>
        %swap3A_137 = vector.shape_cast %mul3A_132 : vector<16xf32> to vector<1x16xf32>
        tpu.vector_store %arg6[%swap3A_133, %swap3A_134], %swap3A_137 {strides = array<i32>} : memref<800x64xf32, #tpu.memory_space<vmem>>, vector<1x16xf32>,
        %get3A_138 = arith.index_cast %scan3A_102 : i32 to index
        %get3A_139 = arith.constant 48 : index
        %get3A_140 = tpu.vector_load %arg6[%get3A_138, %get3A_139] {strides = array<i32>} : memref<800x64xf32, #tpu.memory_space<vmem>>, vector<1x16xf32>,
        %get3A_141 = vector.shape_cast %get3A_140 : vector<1x16xf32> to vector<16xf32>
        %mul3A_142 = arith.constant 8.000000e+00 : f32
        %mul3A_143 = vector.broadcast %mul3A_142 : f32 to vector<16xf32>
        %mul3A_144 = arith.mulf %get3A_141, %mul3A_143 : vector<16xf32>
        %swap3A_145 = arith.index_cast %scan3A_102 : i32 to index
        %swap3A_146 = arith.constant 48 : index
        %swap3A_147 = tpu.vector_load %arg6[%swap3A_145, %swap3A_146] {strides = array<i32>} : memref<800x64xf32, #tpu.memory_space<vmem>>, vector<1x16xf32>,
        %swap3A_148 = vector.shape_cast %swap3A_147 : vector<1x16xf32> to vector<16xf32>
        %swap3A_149 = vector.shape_cast %mul3A_144 : vector<16xf32> to vector<1x16xf32>
        tpu.vector_store %arg6[%swap3A_145, %swap3A_146], %swap3A_149 {strides = array<i32>} : memref<800x64xf32, #tpu.memory_space<vmem>>, vector<1x16xf32>,
        %scan3A_150 = arith.constant 0 : i32
        scf.yield %scan3A_150 : i32
      }
      %scan3A_92 = arith.constant 800 : i32
      %add3A_93 = arith.constant 0 : i32
      %add3A_94 = arith.addi %add3A_13, %add3A_93 : i32
      "tpu.region"() ({
        %run_scoped3A = tpu.sem_alloc : memref<!tpu.dma_semaphore, #tpu.memory_space<semaphore_mem>>
        %dma_start3A = arith.constant 0 : i32
        %dma_start3A_102 = arith.constant 0 : i32
        %dma_start3A_103 = tpu.memref_slice %arg6[%dma_start3A, %dma_start3A_102] : memref<800x64xf32, #tpu.memory_space<vmem>> -> memref<200x64xf32, #tpu.memory_space<vmem>>
        %dma_start3A_104 = arith.constant 0 : i32
        %dma_start3A_105 = arith.constant 0 : i32
        %dma_start3A_106 = tpu.memref_slice %arg4[%add3A_94, %dma_start3A_104, %dma_start3A_105] : memref<4096x200x64xf32, #tpu.memory_space<hbm>> -> memref<1x200x64xf32, #tpu.memory_space<hbm>>
        %dma_start3A_107 = tpu.memref_squeeze %dma_start3A_106 : memref<1x200x64xf32, #tpu.memory_space<hbm>> -> memref<200x64xf32, #tpu.memory_space<hbm>>
        %dma_start3A_108 = arith.constant 0 : i32
        %dma_start3A_109 = arith.constant 0 : i32
        %dma_start3A_110 = tpu.memref_slice %arg4[%add3A_94, %dma_start3A_108, %dma_start3A_109] : memref<4096x200x64xf32, #tpu.memory_space<hbm>> -> memref<1x200x64xf32, #tpu.memory_space<hbm>>
        %dma_start3A_111 = tpu.memref_squeeze %dma_start3A_110 : memref<1x200x64xf32, #tpu.memory_space<hbm>> -> memref<200x64xf32, #tpu.memory_space<hbm>>
        %dma_start3A_112 = arith.constant 0 : i32
        %dma_start3A_113 = arith.constant 0 : i32
        %dma_start3A_114 = tpu.memref_slice %arg6[%dma_start3A_112, %dma_start3A_113] : memref<800x64xf32, #tpu.memory_space<vmem>> -> memref<200x64xf32, #tpu.memory_space<vmem>>
        tpu.enqueue_dma source(%dma_start3A_114 : memref<200x64xf32, #tpu.memory_space<vmem>>) target(%dma_start3A_111 : memref<200x64xf32, #tpu.memory_space<hbm>>) target_semaphore(%run_scoped3A : memref<!tpu.dma_semaphore, #tpu.memory_space<semaphore_mem>>)
        %dma_wait3A_115 = arith.constant 0 : i32
        %dma_wait3A_116 = arith.constant 0 : i32
        %dma_wait3A_117 = tpu.memref_slice %arg6[%dma_wait3A_115, %dma_wait3A_116] : memref<800x64xf32, #tpu.memory_space<vmem>> -> memref<200x64xf32, #tpu.memory_space<vmem>>
        %dma_wait3A_118 = arith.constant 0 : i32
        %dma_wait3A_119 = arith.constant 0 : i32
        %dma_wait3A_120 = tpu.memref_slice %arg4[%add3A_94, %dma_wait3A_118, %dma_wait3A_119] : memref<4096x200x64xf32, #tpu.memory_space<hbm>> -> memref<1x200x64xf32, #tpu.memory_space<hbm>>
        %dma_wait3A_121 = tpu.memref_squeeze %dma_wait3A_120 : memref<1x200x64xf32, #tpu.memory_space<hbm>> -> memref<200x64xf32, #tpu.memory_space<hbm>>
        %dma_wait3A_122 = arith.constant 0 : i32
        %dma_wait3A_123 = arith.constant 0 : i32
        %dma_wait3A_124 = tpu.memref_slice %arg4[%add3A_94, %dma_wait3A_122, %dma_wait3A_123] : memref<4096x200x64xf32, #tpu.memory_space<hbm>> -> memref<1x200x64xf32, #tpu.memory_space<hbm>>
        %dma_wait3A_125 = tpu.memref_squeeze %dma_wait3A_124 : memref<1x200x64xf32, #tpu.memory_space<hbm>> -> memref<200x64xf32, #tpu.memory_space<hbm>>
        %dma_wait3A_126 = arith.constant 0 : i32
        %dma_wait3A_127 = arith.constant 0 : i32
        %dma_wait3A_128 = tpu.memref_slice %arg6[%dma_wait3A_126, %dma_wait3A_127] : memref<800x64xf32, #tpu.memory_space<vmem>> -> memref<200x64xf32, #tpu.memory_space<vmem>>
        tpu.wait_dma2 semaphore(%run_scoped3A : memref<!tpu.dma_semaphore, #tpu.memory_space<semaphore_mem>>) src(%dma_wait3A_128 : memref<200x64xf32, #tpu.memory_space<vmem>>) dst(%dma_wait3A_125 : memref<200x64xf32, #tpu.memory_space<hbm>>)
        tpu.yield
      }) : () -> ()
      %add3A_95 = arith.constant 1 : i32
      %add3A_96 = arith.addi %add3A_13, %add3A_95 : i32
      "tpu.region"() ({
        %run_scoped3A = tpu.sem_alloc : memref<!tpu.dma_semaphore, #tpu.memory_space<semaphore_mem>>
        %dma_start3A = arith.constant 200 : i32
        %dma_start3A_102 = arith.constant 0 : i32
        %dma_start3A_103 = tpu.memref_slice %arg6[%dma_start3A, %dma_start3A_102] : memref<800x64xf32, #tpu.memory_space<vmem>> -> memref<200x64xf32, #tpu.memory_space<vmem>>
        %dma_start3A_104 = arith.constant 0 : i32
        %dma_start3A_105 = arith.constant 0 : i32
        %dma_start3A_106 = tpu.memref_slice %arg4[%add3A_96, %dma_start3A_104, %dma_start3A_105] : memref<4096x200x64xf32, #tpu.memory_space<hbm>> -> memref<1x200x64xf32, #tpu.memory_space<hbm>>
        %dma_start3A_107 = tpu.memref_squeeze %dma_start3A_106 : memref<1x200x64xf32, #tpu.memory_space<hbm>> -> memref<200x64xf32, #tpu.memory_space<hbm>>
        %dma_start3A_108 = arith.constant 0 : i32
        %dma_start3A_109 = arith.constant 0 : i32
        %dma_start3A_110 = tpu.memref_slice %arg4[%add3A_96, %dma_start3A_108, %dma_start3A_109] : memref<4096x200x64xf32, #tpu.memory_space<hbm>> -> memref<1x200x64xf32, #tpu.memory_space<hbm>>
        %dma_start3A_111 = tpu.memref_squeeze %dma_start3A_110 : memref<1x200x64xf32, #tpu.memory_space<hbm>> -> memref<200x64xf32, #tpu.memory_space<hbm>>
        %dma_start3A_112 = arith.constant 200 : i32
        %dma_start3A_113 = arith.constant 0 : i32
        %dma_start3A_114 = tpu.memref_slice %arg6[%dma_start3A_112, %dma_start3A_113] : memref<800x64xf32, #tpu.memory_space<vmem>> -> memref<200x64xf32, #tpu.memory_space<vmem>>
        tpu.enqueue_dma source(%dma_start3A_114 : memref<200x64xf32, #tpu.memory_space<vmem>>) target(%dma_start3A_111 : memref<200x64xf32, #tpu.memory_space<hbm>>) target_semaphore(%run_scoped3A : memref<!tpu.dma_semaphore, #tpu.memory_space<semaphore_mem>>)
        %dma_wait3A_115 = arith.constant 200 : i32
        %dma_wait3A_116 = arith.constant 0 : i32
        %dma_wait3A_117 = tpu.memref_slice %arg6[%dma_wait3A_115, %dma_wait3A_116] : memref<800x64xf32, #tpu.memory_space<vmem>> -> memref<200x64xf32, #tpu.memory_space<vmem>>
        %dma_wait3A_118 = arith.constant 0 : i32
        %dma_wait3A_119 = arith.constant 0 : i32
        %dma_wait3A_120 = tpu.memref_slice %arg4[%add3A_96, %dma_wait3A_118, %dma_wait3A_119] : memref<4096x200x64xf32, #tpu.memory_space<hbm>> -> memref<1x200x64xf32, #tpu.memory_space<hbm>>
        %dma_wait3A_121 = tpu.memref_squeeze %dma_wait3A_120 : memref<1x200x64xf32, #tpu.memory_space<hbm>> -> memref<200x64xf32, #tpu.memory_space<hbm>>
        %dma_wait3A_122 = arith.constant 0 : i32
        %dma_wait3A_123 = arith.constant 0 : i32
        %dma_wait3A_124 = tpu.memref_slice %arg4[%add3A_96, %dma_wait3A_122, %dma_wait3A_123] : memref<4096x200x64xf32, #tpu.memory_space<hbm>> -> memref<1x200x64xf32, #tpu.memory_space<hbm>>
        %dma_wait3A_125 = tpu.memref_squeeze %dma_wait3A_124 : memref<1x200x64xf32, #tpu.memory_space<hbm>> -> memref<200x64xf32, #tpu.memory_space<hbm>>
        %dma_wait3A_126 = arith.constant 200 : i32
        %dma_wait3A_127 = arith.constant 0 : i32
        %dma_wait3A_128 = tpu.memref_slice %arg6[%dma_wait3A_126, %dma_wait3A_127] : memref<800x64xf32, #tpu.memory_space<vmem>> -> memref<200x64xf32, #tpu.memory_space<vmem>>
        tpu.wait_dma2 semaphore(%run_scoped3A : memref<!tpu.dma_semaphore, #tpu.memory_space<semaphore_mem>>) src(%dma_wait3A_128 : memref<200x64xf32, #tpu.memory_space<vmem>>) dst(%dma_wait3A_125 : memref<200x64xf32, #tpu.memory_space<hbm>>)
        tpu.yield
      }) : () -> ()
      %add3A_97 = arith.constant 2 : i32
      %add3A_98 = arith.addi %add3A_13, %add3A_97 : i32
      "tpu.region"() ({
        %run_scoped3A = tpu.sem_alloc : memref<!tpu.dma_semaphore, #tpu.memory_space<semaphore_mem>>
        %dma_start3A = arith.constant 400 : i32
        %dma_start3A_102 = arith.constant 0 : i32
        %dma_start3A_103 = tpu.memref_slice %arg6[%dma_start3A, %dma_start3A_102] : memref<800x64xf32, #tpu.memory_space<vmem>> -> memref<200x64xf32, #tpu.memory_space<vmem>>
        %dma_start3A_104 = arith.constant 0 : i32
        %dma_start3A_105 = arith.constant 0 : i32
        %dma_start3A_106 = tpu.memref_slice %arg4[%add3A_98, %dma_start3A_104, %dma_start3A_105] : memref<4096x200x64xf32, #tpu.memory_space<hbm>> -> memref<1x200x64xf32, #tpu.memory_space<hbm>>
        %dma_start3A_107 = tpu.memref_squeeze %dma_start3A_106 : memref<1x200x64xf32, #tpu.memory_space<hbm>> -> memref<200x64xf32, #tpu.memory_space<hbm>>
        %dma_start3A_108 = arith.constant 0 : i32
        %dma_start3A_109 = arith.constant 0 : i32
        %dma_start3A_110 = tpu.memref_slice %arg4[%add3A_98, %dma_start3A_108, %dma_start3A_109] : memref<4096x200x64xf32, #tpu.memory_space<hbm>> -> memref<1x200x64xf32, #tpu.memory_space<hbm>>
        %dma_start3A_111 = tpu.memref_squeeze %dma_start3A_110 : memref<1x200x64xf32, #tpu.memory_space<hbm>> -> memref<200x64xf32, #tpu.memory_space<hbm>>
        %dma_start3A_112 = arith.constant 400 : i32
        %dma_start3A_113 = arith.constant 0 : i32
        %dma_start3A_114 = tpu.memref_slice %arg6[%dma_start3A_112, %dma_start3A_113] : memref<800x64xf32, #tpu.memory_space<vmem>> -> memref<200x64xf32, #tpu.memory_space<vmem>>
        tpu.enqueue_dma source(%dma_start3A_114 : memref<200x64xf32, #tpu.memory_space<vmem>>) target(%dma_start3A_111 : memref<200x64xf32, #tpu.memory_space<hbm>>) target_semaphore(%run_scoped3A : memref<!tpu.dma_semaphore, #tpu.memory_space<semaphore_mem>>)
        %dma_wait3A_115 = arith.constant 400 : i32
        %dma_wait3A_116 = arith.constant 0 : i32
        %dma_wait3A_117 = tpu.memref_slice %arg6[%dma_wait3A_115, %dma_wait3A_116] : memref<800x64xf32, #tpu.memory_space<vmem>> -> memref<200x64xf32, #tpu.memory_space<vmem>>
        %dma_wait3A_118 = arith.constant 0 : i32
        %dma_wait3A_119 = arith.constant 0 : i32
        %dma_wait3A_120 = tpu.memref_slice %arg4[%add3A_98, %dma_wait3A_118, %dma_wait3A_119] : memref<4096x200x64xf32, #tpu.memory_space<hbm>> -> memref<1x200x64xf32, #tpu.memory_space<hbm>>
        %dma_wait3A_121 = tpu.memref_squeeze %dma_wait3A_120 : memref<1x200x64xf32, #tpu.memory_space<hbm>> -> memref<200x64xf32, #tpu.memory_space<hbm>>
        %dma_wait3A_122 = arith.constant 0 : i32
        %dma_wait3A_123 = arith.constant 0 : i32
        %dma_wait3A_124 = tpu.memref_slice %arg4[%add3A_98, %dma_wait3A_122, %dma_wait3A_123] : memref<4096x200x64xf32, #tpu.memory_space<hbm>> -> memref<1x200x64xf32, #tpu.memory_space<hbm>>
        %dma_wait3A_125 = tpu.memref_squeeze %dma_wait3A_124 : memref<1x200x64xf32, #tpu.memory_space<hbm>> -> memref<200x64xf32, #tpu.memory_space<hbm>>
        %dma_wait3A_126 = arith.constant 400 : i32
        %dma_wait3A_127 = arith.constant 0 : i32
        %dma_wait3A_128 = tpu.memref_slice %arg6[%dma_wait3A_126, %dma_wait3A_127] : memref<800x64xf32, #tpu.memory_space<vmem>> -> memref<200x64xf32, #tpu.memory_space<vmem>>
        tpu.wait_dma2 semaphore(%run_scoped3A : memref<!tpu.dma_semaphore, #tpu.memory_space<semaphore_mem>>) src(%dma_wait3A_128 : memref<200x64xf32, #tpu.memory_space<vmem>>) dst(%dma_wait3A_125 : memref<200x64xf32, #tpu.memory_space<hbm>>)
        tpu.yield
      }) : () -> ()
      %add3A_99 = arith.constant 3 : i32
      %add3A_100 = arith.addi %add3A_13, %add3A_99 : i32
      "tpu.region"() ({
        %run_scoped3A = tpu.sem_alloc : memref<!tpu.dma_semaphore, #tpu.memory_space<semaphore_mem>>
        %dma_start3A = arith.constant 600 : i32
        %dma_start3A_102 = arith.constant 0 : i32
        %dma_start3A_103 = tpu.memref_slice %arg6[%dma_start3A, %dma_start3A_102] : memref<800x64xf32, #tpu.memory_space<vmem>> -> memref<200x64xf32, #tpu.memory_space<vmem>>
        %dma_start3A_104 = arith.constant 0 : i32
        %dma_start3A_105 = arith.constant 0 : i32
        %dma_start3A_106 = tpu.memref_slice %arg4[%add3A_100, %dma_start3A_104, %dma_start3A_105] : memref<4096x200x64xf32, #tpu.memory_space<hbm>> -> memref<1x200x64xf32, #tpu.memory_space<hbm>>
        %dma_start3A_107 = tpu.memref_squeeze %dma_start3A_106 : memref<1x200x64xf32, #tpu.memory_space<hbm>> -> memref<200x64xf32, #tpu.memory_space<hbm>>
        %dma_start3A_108 = arith.constant 0 : i32
        %dma_start3A_109 = arith.constant 0 : i32
        %dma_start3A_110 = tpu.memref_slice %arg4[%add3A_100, %dma_start3A_108, %dma_start3A_109] : memref<4096x200x64xf32, #tpu.memory_space<hbm>> -> memref<1x200x64xf32, #tpu.memory_space<hbm>>
        %dma_start3A_111 = tpu.memref_squeeze %dma_start3A_110 : memref<1x200x64xf32, #tpu.memory_space<hbm>> -> memref<200x64xf32, #tpu.memory_space<hbm>>
        %dma_start3A_112 = arith.constant 600 : i32
        %dma_start3A_113 = arith.constant 0 : i32
        %dma_start3A_114 = tpu.memref_slice %arg6[%dma_start3A_112, %dma_start3A_113] : memref<800x64xf32, #tpu.memory_space<vmem>> -> memref<200x64xf32, #tpu.memory_space<vmem>>
        tpu.enqueue_dma source(%dma_start3A_114 : memref<200x64xf32, #tpu.memory_space<vmem>>) target(%dma_start3A_111 : memref<200x64xf32, #tpu.memory_space<hbm>>) target_semaphore(%run_scoped3A : memref<!tpu.dma_semaphore, #tpu.memory_space<semaphore_mem>>)
        %dma_wait3A_115 = arith.constant 600 : i32
        %dma_wait3A_116 = arith.constant 0 : i32
        %dma_wait3A_117 = tpu.memref_slice %arg6[%dma_wait3A_115, %dma_wait3A_116] : memref<800x64xf32, #tpu.memory_space<vmem>> -> memref<200x64xf32, #tpu.memory_space<vmem>>
        %dma_wait3A_118 = arith.constant 0 : i32
        %dma_wait3A_119 = arith.constant 0 : i32
        %dma_wait3A_120 = tpu.memref_slice %arg4[%add3A_100, %dma_wait3A_118, %dma_wait3A_119] : memref<4096x200x64xf32, #tpu.memory_space<hbm>> -> memref<1x200x64xf32, #tpu.memory_space<hbm>>
        %dma_wait3A_121 = tpu.memref_squeeze %dma_wait3A_120 : memref<1x200x64xf32, #tpu.memory_space<hbm>> -> memref<200x64xf32, #tpu.memory_space<hbm>>
        %dma_wait3A_122 = arith.constant 0 : i32
        %dma_wait3A_123 = arith.constant 0 : i32
        %dma_wait3A_124 = tpu.memref_slice %arg4[%add3A_100, %dma_wait3A_122, %dma_wait3A_123] : memref<4096x200x64xf32, #tpu.memory_space<hbm>> -> memref<1x200x64xf32, #tpu.memory_space<hbm>>
        %dma_wait3A_125 = tpu.memref_squeeze %dma_wait3A_124 : memref<1x200x64xf32, #tpu.memory_space<hbm>> -> memref<200x64xf32, #tpu.memory_space<hbm>>
        %dma_wait3A_126 = arith.constant 600 : i32
        %dma_wait3A_127 = arith.constant 0 : i32
        %dma_wait3A_128 = tpu.memref_slice %arg6[%dma_wait3A_126, %dma_wait3A_127] : memref<800x64xf32, #tpu.memory_space<vmem>> -> memref<200x64xf32, #tpu.memory_space<vmem>>
        tpu.wait_dma2 semaphore(%run_scoped3A : memref<!tpu.dma_semaphore, #tpu.memory_space<semaphore_mem>>) src(%dma_wait3A_128 : memref<200x64xf32, #tpu.memory_space<vmem>>) dst(%dma_wait3A_125 : memref<200x64xf32, #tpu.memory_space<hbm>>)
        tpu.yield
      }) : () -> ()
      %scan3A_101 = arith.constant 0 : i32
      scf.yield %scan3A_101 : i32
    }
    %scan3A_8 = arith.constant 32 : i32
    return
  }
}

</mosaic_0001>

<sc_bundles>
// kernel: kernel.3.cloned.1.call-start
scs
__scs_entry_jumppad:
0x0: {  	(pc) =	sbr.rel $0x88, $3  }
0x1: {  	(tag) =	ssettag $0x0;
	lr =	simm.s32 $0x1  }
0x2: {  	[smem:$0x3F9F] =	sst lr;
	_ =	strace $0xD0000000  }
0x3: {  	_ = 	snop  }
0x4: {  	_ = 	snop  }
0x5: {  	_ = 	snop  }
0x6: {  	_ = 	snop  }
0x7: {  	_ = 	snop  }
__scs_overlays_trampoline_lowered:
0x8: {  	[smem:$0x3FAE] =	sst s0  }
0x9: {  	[smem:$0x3FAF] =	sst s1  }
0xa: {  	[smem:$0x3FB0] =	sst s2  }
0xb: {  	[smem:$0x3FB1] =	sst s3  }
0xc: {  	[smem:$0x3FB2] =	sst s4  }
0xd: {  	[smem:$0x3FB3] =	sst s5  }
0xe: {  	[smem:$0x3FB4] =	sst s6  }
0xf: {  	[smem:$0x3FB5] =	sst s7  }
0x10: {  	[smem:$0x3FB6] =	sst s8  }
0x11: {  	[smem:$0x3FB7] =	sst s9;
	s0 =	simm.s32 @!p0 $0x0  }
0x12: {  	s1 =	sld [smem:$0x3F9D];
	s0 =	simm.s32 @p0 $0x1  }
0x13: {  	[smem:$0x3FB8] =	sst s0;
	s0 =	simm.s32 @!p1 $0x0  }
0x14: {  	s2 =	sld [smem:$0x3F9C];
	s0 =	simm.s32 @p1 $0x1  }
0x15: {  	[smem:$0x3FB9] =	sst s0;
	s0 =	simm.s32 @!p2 $0x0  }
0x16: {  	s3 =	sld [smem:$0x3FDB];
	s0 =	simm.s32 @p2 $0x1  }
0x17: {  	s4 =	simm.s32 $0x1BF5;
	[smem:$0x3FBB] =	sst s0  }
0x18: {  	s0 =	sld [smem:$0x3F9E];
	_ =	swait.ge [sflag:s4], $0x0  }
0x19: {  	s7 =	sld [smem:$0x3F9F]  }
0x1a: {  	s8 =	sadd.s32 $0xFFFFE003, lr  }
0x1b: {  	s9 =	sadd.s32 $0xFFFFFEF7, lr;
	s5 =	simm.s32 $0xFFFFFFFF;
	p2 =	slt.u32 s8, $0xFFFFF086  }
0x1c: {  	p1 =	slt.u32 s9, $0xF7A;
	s5 =	simm.s32 @!p2 $0x0  }
0x1d: {  	s5 =	simm.s32 @p1 $0x1;
	p0 =	seq.s32 s7, s2  }
0x1e: {  	s7 =	smul.u32 @!p0 $0xF7A, s2;
	p2 =	seq.s32 @!p0 s5, $0x0  }
0x1f: {  	s9 =	smul.u32 $0xF7A, s1;
	s8 =	simm.s32 @!p0 $0x1BF5;
	p2 =	por !p2, p0  }
0x20: {  	[sflag:s8] =	ssyncset.s32 @!p0 $0xFFFFF086;
	s6 =	sadd.s32 @!p0 s3, s7;
	s7 =	simm.s32 @!p0 $0x108  }
0x21: {  	s3 =	sadd.s32 s3, s9;
	s6 =	sadd.s32 @!p0 $0x88, s6;
	s7 =	simm.s32 @p2 $0x1082  }
0x22: {  	[simem:s7], [sflag:s8] =	dma.local @!p0 [hbm:s6], $0xF7A  }
0x23: {  	s9 =	sor.u32 $0xD0000000, s2;
	s6 =	simm.s32 $0x108;
	_ =	swait.ge @!p0 [sflag:s8], $0x0  }
0x24: {  	s3 =	sadd.s32 $0x88, s3;
	s6 =	simm.s32 @!p1 $0x1082;
	[sflag:s4] =	ssyncset.s32 $0xFFFFF086  }
0x25: {  	[simem:s6], [sflag:s4] =	dma.local [hbm:s3], $0xF7A  }
0x26: {  	[smem:$0x3F9F] =	sst s1;
	(tag) =	ssettag s2;
	_ =	strace s9  }
0x27: {  	s1 =	sld [smem:$0x3FAF]  }
0x28: {  	s2 =	sld [smem:$0x3FB0]  }
0x29: {  	s4 =	sld [smem:$0x3FB2]  }
0x2a: {  	p0 =	seq.s32 s5, $0x0;
	s5 =	sld [smem:$0x3FB3]  }
0x2b: {  	s6 =	sld [smem:$0x3FB4]  }
0x2c: {  	s7 =	sld [smem:$0x3FB5]  }
0x2d: {  	s3 =	simm.s32 $0x108;
	s8 =	sld [smem:$0x3FB6]  }
0x2e: {  	s3 =	simm.s32 @!p0 $0x1082;
	s9 =	sld [smem:$0x3FB7]  }
0x2f: {  	lr =	sadd.s32 s0, s3;
	s0 =	sld [smem:$0x3FAE]  }
0x30: {  	s3 =	sld [smem:$0x3FB1]  }
0x31: {  	[smem:$0x3FBA] =	sst s10  }
0x32: {  	s10 =	sld [smem:$0x3FB8];
	_ =	sdelay $0x3  }
0x33: {  	p0 =	seq.s32 s10, $0x1;
	s10 =	sld [smem:$0x3FBA];
	_ =	sdelay $0x3  }
0x34: {  	[smem:$0x3FBA] =	sst s10  }
0x35: {  	s10 =	sld [smem:$0x3FB9];
	_ =	sdelay $0x3  }
0x36: {  	p1 =	seq.s32 s10, $0x1;
	s10 =	sld [smem:$0x3FBA];
	_ =	sdelay $0x3  }
0x37: {  	[smem:$0x3FBA] =	sst s10  }
0x38: {  	s10 =	sld [smem:$0x3FBB]  }
0x39: {  	_ = 	snop;
	(pc) =	sbr.ind lr, $3  }
0x3a: {  	_ = 	snop  }
0x3b: {  	_ = 	snop  }
0x3c: {  	p2 =	seq.s32 s10, $0x1;
	s10 =	sld [smem:$0x3FBA]  }
0x3d: {  	_ =	shalt  }
0x3e: {  	_ =	shalt  }
0x3f: {  	_ =	shalt  }
0x40: {  	_ =	shalt  }
0x41: {  	_ =	shalt  }
0x42: {  	_ =	shalt  }
0x43: {  	_ =	shalt  }
0x44: {  	_ =	shalt  }
0x45: {  	_ =	shalt  }
0x46: {  	_ =	shalt  }
0x47: {  	_ =	shalt  }
0x48: {  	_ =	shalt  }
0x49: {  	_ =	shalt  }
0x4a: {  	_ =	shalt  }
0x4b: {  	_ =	shalt  }
0x4c: {  	_ =	shalt  }
0x4d: {  	_ =	shalt  }
0x4e: {  	_ =	shalt  }
0x4f: {  	_ =	shalt  }
0x50: {  	_ =	shalt  }
0x51: {  	_ =	shalt  }
0x52: {  	_ =	shalt  }
0x53: {  	_ =	shalt  }
0x54: {  	_ =	shalt  }
0x55: {  	_ =	shalt  }
0x56: {  	_ =	shalt  }
0x57: {  	_ =	shalt  }
0x58: {  	_ =	shalt  }
0x59: {  	_ =	shalt  }
0x5a: {  	_ =	shalt  }
0x5b: {  	_ =	shalt  }
0x5c: {  	_ =	shalt  }
0x5d: {  	_ =	shalt  }
0x5e: {  	_ =	shalt  }
0x5f: {  	_ =	shalt  }
0x60: {  	_ =	shalt  }
0x61: {  	_ =	shalt  }
0x62: {  	_ =	shalt  }
0x63: {  	_ =	shalt  }
0x64: {  	_ =	shalt  }
0x65: {  	_ =	shalt  }
0x66: {  	_ =	shalt  }
0x67: {  	_ =	shalt  }
0x68: {  	_ =	shalt  }
0x69: {  	_ =	shalt  }
0x6a: {  	_ =	shalt  }
0x6b: {  	_ =	shalt  }
0x6c: {  	_ =	shalt  }
0x6d: {  	_ =	shalt  }
0x6e: {  	_ =	shalt  }
0x6f: {  	_ =	shalt  }
0x70: {  	_ =	shalt  }
0x71: {  	_ =	shalt  }
0x72: {  	_ =	shalt  }
0x73: {  	_ =	shalt  }
0x74: {  	_ =	shalt  }
0x75: {  	_ =	shalt  }
0x76: {  	_ =	shalt  }
0x77: {  	_ =	shalt  }
0x78: {  	_ =	shalt  }
0x79: {  	_ =	shalt  }
0x7a: {  	_ =	shalt  }
0x7b: {  	_ =	shalt  }
0x7c: {  	_ =	shalt  }
0x7d: {  	_ =	shalt  }
0x7e: {  	_ =	shalt  }
0x7f: {  	_ =	shalt  }
0x80: {  	_ =	shalt  }
0x81: {  	_ =	shalt  }
0x82: {  	_ =	shalt  }
0x83: {  	_ =	shalt  }
0x84: {  	_ =	shalt  }
0x85: {  	_ =	shalt  }
0x86: {  	_ =	shalt  }
0x87: {  	_ =	shalt  }
.Lfunc_end0:
.L_simem_size_0:
called_computation_lowered:
.L_overlay_start_0:
0x88: {  	s2 =	sld [smem:$0x3FD9]  }
0x89: {  	s3 =	sld [smem:$0x3FFE];
	_ =	sdelay $0x1  }
0x8a: {  	s1 =	srdreg.scid  }
0x8b: {  	s0 =	sand.u32 $0x1, s1  }
0x8c: {  	s17 =	sshll.u32 s0, $0xA;
	s2 =	sadd.s32 s3, s2  }
0x8d: {  	s2 =	sadd.s32 s2, s17  }
0x8e: {  	[smem:$0x3FC6] =	sst s2  }
0x8f: {  	_ = 	snop  }
0x90: {  	s2 =	sld [smem:$0x3FD0];
	(tm) =	ssettm $0x1  }
0x91: {  	s18 =	sld [smem:$0x3FFB];
	_ =	sdelay $0x3  }
0x92: {  	_ =	strace s18  }
0x93: {  	s3 =	sld [smem:$0x3FFC];
	_ =	sdelay $0x3  }
0x94: {  	_ =	strace s3  }
0x95: {  	s3 =	sld [smem:$0x3FFD];
	_ =	sdelay $0x3  }
0x96: {  	_ =	strace s3  }
0x97: {  	_ =	strace $0x8FFFFFFF  }
0x98: {  	s19 =	sld [smem:$0x3FDB];
	_ =	sdelay $0x1  }
0x99: {  	s4 =	simm.s32 $_scs_section_size  }
0x9a: {  	s5 =	simm.s32 $_size__tile_overlayer_lowered;
	s6 =	simm.s32 $_tile_overlayer_lowered  }
0x9b: {  	s22 =	simm.s32 $0x1BFF;
	s21 =	sshll.u32 s6, $0x1;
	s3 =	sadd.s32 s4, s19  }
0x9c: {  	s7 =	simm.s32 $0x0;
	s20 =	sshll.u32 s5, $0x1;
	s5 =	sadd.s32 s21, s3  }
0x9d: {  	[timem:s7], [sflag:s22] =	dma.local [hbm:s5], s20  }
0x9e: {  	_ =	swait.ge [sflag:s22], s20  }
0x9f: {  	s4 =	ssub.s32 $0x0, s20;
	[sflag:s22] =	ssyncset.done $0x0  }
0xa0: {  	[sflag:s22] =	ssyncadd.s32 s4;
	_ =	sdelay $0x1  }
0xa1: {  	s23 =	simm.s32 $0x1B8B  }
0xa2: {  	_ =	swait.ge [sflag:s23], $0x1  }
0xa3: {  	[sflag:s23] =	ssyncset.done $0x0  }
0xa4: {  	s25 =	simm.s32 $0x1B8E;
	s24 =	sld [smem:$0x3FFE];
	[sflag:s23] =	ssyncadd.s32 $0xFFFFFFFF  }
0xa5: {  	s26 =	simm.s32 $execute0_lowered;
	[smem:$0x3FD2] =	sst s25  }
0xa6: {  	s5 =	sshll.u32 s26, $0x1;
	_ =	strace $0x80000046;
	[dreg:$0x1] =	wrdreg $0xFFFFFFFF  }
0xa7: {  	s28 =	simm.s32 $_size_execute0_lowered;
	s3 =	sadd.s32 s3, s5;
	[dreg:$0x0] =	wrdreg $0x0  }
0xa8: {  	s5 =	sshll.u32 s28, $0x1;
	[dreg:$0x2] =	wrdreg s3  }
0xa9: {  	[dreg:$0x3] =	wrdreg s5  }
0xaa: {  	[dreg:$0x4] =	wrdreg $0xC0  }
0xab: {  	_ =	task [dreg:s7], $0x5FFFF  }
0xac: {  	[dreg:$0x1] =	wrdreg $0xFFFFFFFF  }
0xad: {  	[dreg:$0x0] =	wrdreg $0x60  }
0xae: {  	[dreg:$0x2] =	wrdreg s2  }
0xaf: {  	[dreg:$0x3] =	wrdreg s24  }
0xb0: {  	[dreg:$0x4] =	wrdreg $0x9  }
0xb1: {  	_ =	task.clear_ibuf [dreg:s7], $0x5FFFF;
	_ =	strace $0x90000046  }
0xb2: {  	s29 =	simm.s32 $0x9;
	_ =	strace $0x80000048  }
0xb3: {  	_ =	swait.ge [sflag:s29], $0x1  }
0xb4: {  	[sflag:s29] =	ssyncadd.s32 $0xFFFFFFFF  }
0xb5: {  	_ =	strace $0x90000048  }
0xb6: {  	_ =	sfence  }
0xb7: {  	s30 =	sld [smem:$0x0];
	_ =	sdelay $0x2  }
0xb8: {  	s31 =	sshll.u32 s1, $0xD;
	s1 =	sshrl.u32 s1, $0x2  }
0xb9: {  	s3 =	sand.u32 $0x4000, s31;
	s1 =	sadd.s32 s1, s30  }
0xba: {  	s0 =	sor.u32 s3, s0;
	s1 =	sshll.u32 s1, $0x11  }
0xbb: {  	s0 =	sor.u32 s1, s0  }
0xbc: {  	s0 =	sadd.s32 $0x8F2B, s0  }
0xbd: {  	[sflag:s0] =	ssyncadd.remote.s32 $0x1  }
0xbe: {  	_ =	sfence.sel $0xFFFF  }
0xbf: {  	[dreg:$0x0] =	wrdreg $0xFFFFFFFF;
	(pc) =	sbr.abs _section_cstart, $3  }
0xc0: {  	[dreg:$0x1] =	wrdreg $0xFFFFFFFF  }
0xc1: {  	_ =	task.clear_ibuf [dreg:s7], $0x2FFFF;
	_ =	strace $0x9FFFFFFF  }
0xc2: {  	(tm) =	ssettm $0x7FFFFFFF  }
0xc3: {  	_ =	shalt  }
tec
execute0_lowered:
.L_overlay_start_1:
0x0: {  	(tag) =	ssettag $0x1  }
0x1: {  	s3 =	rddreg [dreg:$0x1];
	s2 =	simm.s32 $0x0  }
0x2: {  	s4 =	srdreg.scid;
	s0 =	stileid.u32;
	s9 =	simm.s32 $0x1  }
0x3: {  	s11 =	simm.s32 $0x6780;
	s12 =	simm.s32 $0xCB80;
	s6 =	sand.u32 $0x1, s4  }
0x4: {  	s13 =	simm.s32 $0x12F80;
	s1 =	simm.s32 $0x0;
	s7 =	ssub.s32 $0x2, s6  }
0x5: {  	[smem:$0x7FF] =	sst s2;
	s4 =	sadd.s32 $0x400, s3;
	s8 =	sshrl.u32 s7, $0x1  }
0x6: {  	s5 =	sadd.s32 $0xF42800, s3;
	s30 =	sshll.u32 s0, $0x8;
	s7 =	ssub.s32 s7, s8  }
0x7: {  	_ =	strace $0x80000047;
	s6 =	sshll.u32 s6, $0x7;
	s31 =	smax.u32 s7, $0x1  }
0x8: {  	s6 =	sor.u32 s6, s30;
	s8 =	simm.s32 $0x2;
	[dreg:$0x3] =	wrdreg s31  }
.LBB2_1:
0x9: {  	[dreg:$0x4] =	wrdreg s1;
	s15 =	simm.s32 $0x0  }
.LBB2_2:
0xa: {  	s16 =	sshll.u32 s15, $0x2  }
0xb: {  	s16 =	sadd.s32 s6, s16  }
0xc: {  	s17 =	smul.u32 $0x19, s16  }
0xd: {  	s0 =	rddreg [dreg:$0x0]  }
0xe: {  	s18 =	simm.s32 $0x0;
	s17 =	sadd.s32 s0, s17  }
0xf: {  	[tilespmem:s18], [sflag:$0x2] =	stream.linear.gather [hbm4b:s17+s18], $0x320, $0x38;
	[tilespmem:$0x19380] =	vst v63  }
0x10: {  	_ =	swait.ge [sflag:s8], $0x320  }
0x11: {  	[sflag:s8] =	ssyncset.done $0x0  }
0x12: {  	[sflag:s8] =	ssyncadd.s32 $0xFFFFFCE0  }
0x13: {  	v0 =	vld [tilespmem:s18+$0x0];
	_ =	sdelay $0x4  }
0x14: {  	v0 =	vshll.u32 v0, $0x4  }
0x15: {  	(v2sf) =	vpush v0, $0x0  }
0x16: {  	(v2sf) =	vpush v0, $0x1  }
0x17: {  	(v2sf) =	vpush v0, $0x2;
	_ =	sdelay $0x1  }
0x18: {  	(v2sf) =	vpush v0, $0x4;
	_ =	sdelay $0x1  }
0x19: {  	(v2sf) =	vpush v0, $0x3  }
0x1a: {  	(v2sf) =	vpush v0, $0x5  }
0x1b: {  	s19 =	simm.s32 $0x2000;
	s17 =	simm.s32 $0x0;
	(v2sf) =	vpush v0, $0x6  }
.LBB2_3:
0x1c: {  	p0 =	sne.s32 s19, $0x62000  }
0x1d: {  	s30 =	sadd.s32 $0x400, s17;
	s23 =	sadd.s32 $0x900, s17;
	s20 =	smov.u32 s19  }
0x1e: {  	s19 =	sadd.s32 $0x2000, s19;
	s26 =	sadd.s32 $0x700, s17;
	s21 =	sadd.s32 $0x980, s17;
	(v2sf) =	vpush v0, $0x7  }
0x1f: {  	s29 =	sadd.s32 $0x600, s17;
	s25 =	sadd.s32 $0x780, s17;
	s22 =	sadd.s32 $0xA00, s17  }
0x20: {  	s31 =	sadd.s32 $0x380, s17;
	s0 =	sadd.s32 $0x580, s17;
	(v2sf) =	vpush v0, $0x8  }
0x21: {  	s3 =	sadd.s32 $0x680, s17;
	s18 =	sadd.s32 $0x10, s18  }
0x22: {  	s7 =	sadd.s32 $0x480, s17;
	s24 =	sadd.s32 $0x880, s17;
	s28 =	spop (v2sf);
	(v2sf) =	vpush v0, $0x9  }
0x23: {  	s14 =	sand.u32 $0x1FFFFFF0, s28;
	s28 =	sadd.s32 $0x800, s17;
	s1 =	spop (v2sf)  }
0x24: {  	s14 =	sadd.s32 s4, s14;
	s1 =	sand.u32 $0x1FFFFFF0, s1;
	s10 =	spop (v2sf);
	(v2sf) =	vpush v0, $0xA  }
0x25: {  	[tilespmem:s31], [sflag:$0x1] =	stream.linear.gather [hbm4b:s14+s2], $0x80, $0x38;
	[tilespmem:$0x19380] =	vst v63  }
0x26: {  	s1 =	sadd.s32 s4, s1;
	s14 =	sadd.s32 $0x500, s17;
	s31 =	spop (v2sf);
	(v2sf) =	vpush v0, $0xB  }
0x27: {  	[tilespmem:s30], [sflag:$0x1] =	stream.linear.gather [hbm4b:s1+s2], $0x80, $0x38;
	[tilespmem:$0x19380] =	vst v63  }
0x28: {  	s1 =	sand.u32 $0x1FFFFFF0, s10;
	s10 =	sand.u32 $0x1FFFFFF0, s31;
	s30 =	spop (v2sf);
	(v2sf) =	vpush v0, $0xC  }
0x29: {  	s1 =	sadd.s32 s4, s1;
	s30 =	sand.u32 $0x1FFFFFF0, s30;
	s31 =	spop (v2sf)  }
0x2a: {  	[tilespmem:s7], [sflag:$0x1] =	stream.linear.gather [hbm4b:s1+s2], $0x80, $0x38;
	(v2sf) =	vpush v0, $0xD;
	[tilespmem:$0x19380] =	vst v63  }
0x2b: {  	s1 =	sadd.s32 s4, s30;
	s7 =	sand.u32 $0x1FFFFFF0, s31;
	s30 =	spop (v2sf)  }
0x2c: {  	[tilespmem:s14], [sflag:$0x1] =	stream.linear.gather [hbm4b:s1+s2], $0x80, $0x38;
	(v2sf) =	vpush v0, $0xE;
	[tilespmem:$0x19380] =	vst v63  }
0x2d: {  	s1 =	sadd.s32 s4, s10;
	s10 =	sand.u32 $0x1FFFFFF0, s30;
	s14 =	spop (v2sf)  }
0x2e: {  	[tilespmem:s0], [sflag:$0x1] =	stream.linear.gather [hbm4b:s1+s2], $0x80, $0x38;
	(v2sf) =	vpush v0, $0xF;
	[tilespmem:$0x19380] =	vst v63  }
0x2f: {  	s0 =	sadd.s32 s4, s7;
	s1 =	sand.u32 $0x1FFFFFF0, s14;
	s7 =	spop (v2sf)  }
0x30: {  	[tilespmem:s29], [sflag:$0x1] =	stream.linear.gather [hbm4b:s0+s2], $0x80, $0x38;
	[tilespmem:$0x19380] =	vst v63  }
0x31: {  	s0 =	sadd.s32 s4, s10;
	s7 =	sand.u32 $0x1FFFFFF0, s7;
	s10 =	spop (v2sf)  }
0x32: {  	[tilespmem:s3], [sflag:$0x1] =	stream.linear.gather [hbm4b:s0+s2], $0x80, $0x38;
	[tilespmem:$0x19380] =	vst v63  }
0x33: {  	s0 =	sadd.s32 s4, s1;
	s1 =	sand.u32 $0x1FFFFFF0, s10;
	s3 =	spop (v2sf)  }
0x34: {  	[tilespmem:s26], [sflag:$0x1] =	stream.linear.gather [hbm4b:s0+s2], $0x80, $0x38;
	[tilespmem:$0x19380] =	vst v63  }
0x35: {  	s0 =	sadd.s32 s4, s7;
	s3 =	sand.u32 $0x1FFFFFF0, s3;
	s7 =	spop (v2sf)  }
0x36: {  	[tilespmem:s25], [sflag:$0x1] =	stream.linear.gather [hbm4b:s0+s2], $0x80, $0x38;
	[tilespmem:$0x19380] =	vst v63  }
0x37: {  	s0 =	sadd.s32 s4, s1;
	s1 =	sand.u32 $0x1FFFFFF0, s7;
	s7 =	spop (v2sf)  }
0x38: {  	[tilespmem:s28], [sflag:$0x1] =	stream.linear.gather [hbm4b:s0+s2], $0x80, $0x38;
	[tilespmem:$0x19380] =	vst v63  }
0x39: {  	s0 =	sadd.s32 s4, s3;
	s3 =	sand.u32 $0x1FFFFFF0, s7;
	s7 =	spop (v2sf)  }
0x3a: {  	[tilespmem:s24], [sflag:$0x1] =	stream.linear.gather [hbm4b:s0+s2], $0x80, $0x38;
	[tilespmem:$0x19380] =	vst v63  }
0x3b: {  	s0 =	sadd.s32 s4, s1;
	s1 =	sand.u32 $0x1FFFFFF0, s7;
	s7 =	spop (v2sf)  }
0x3c: {  	[tilespmem:s23], [sflag:$0x1] =	stream.linear.gather [hbm4b:s0+s2], $0x80, $0x38;
	[tilespmem:$0x19380] =	vst v63  }
0x3d: {  	s0 =	sadd.s32 s4, s3;
	s3 =	sand.u32 $0x1FFFFFF0, s7;
	s7 =	spop (v2sf)  }
0x3e: {  	[tilespmem:s21], [sflag:$0x1] =	stream.linear.gather [hbm4b:s0+s2], $0x80, $0x38;
	[tilespmem:$0x19380] =	vst v63  }
0x3f: {  	s0 =	sadd.s32 s4, s1;
	s1 =	sand.u32 $0x1FFFFFF0, s7  }
0x40: {  	[tilespmem:s22], [sflag:$0x1] =	stream.linear.gather [hbm4b:s0+s2], $0x80, $0x38;
	[tilespmem:$0x19380] =	vst v63  }
0x41: {  	s3 =	sadd.s32 s4, s3;
	s0 =	sadd.s32 $0xA80, s17  }
0x42: {  	[tilespmem:s0], [sflag:$0x1] =	stream.linear.gather [hbm4b:s3+s2], $0x80, $0x38;
	[tilespmem:$0x19380] =	vst v63  }
0x43: {  	s1 =	sadd.s32 s4, s1;
	s0 =	sadd.s32 $0xB00, s17  }
0x44: {  	[tilespmem:s0], [sflag:$0x1] =	stream.linear.gather [hbm4b:s1+s2], $0x80, $0x38;
	[tilespmem:$0x19380] =	vst v63  }
0x45: {  	v0 =	vld [tilespmem:s18+$0x0];
	_ =	sdelay $0x4  }
0x46: {  	v0 =	vshll.u32 v0, $0x4  }
0x47: {  	(v2sf) =	vpush v0, $0x0  }
0x48: {  	(v2sf) =	vpush v0, $0x1  }
0x49: {  	(v2sf) =	vpush v0, $0x2;
	_ =	sdelay $0x1  }
0x4a: {  	(v2sf) =	vpush v0, $0x4  }
.Ltmp0:
0x4b: {  	(pc) =	sbr.rel @p0 .LBB2_3-.Ltmp0, $3  }
0x4c: {  	(v2sf) =	vpush v0, $0x3  }
0x4d: {  	(v2sf) =	vpush v0, $0x5;
	_ =	sdelay $0x1  }
0x4e: {  	s17 =	sshra.s32 s20, $0x2;
	(v2sf) =	vpush v0, $0x6  }
0x4f: {  	_ =	sdelay $0x1  }
0x50: {  	s0 =	sadd.s32 $0x400, s17;
	s20 =	sadd.s32 $0x900, s17  }
0x51: {  	s1 =	sadd.s32 $0x700, s17;
	s18 =	sadd.s32 $0x980, s17;
	(v2sf) =	vpush v0, $0x7;
	s3 =	sadd.s32 $0x600, s17  }
0x52: {  	s7 =	sadd.s32 $0x780, s17;
	s19 =	sadd.s32 $0xA00, s17;
	s10 =	sadd.s32 $0x380, s17  }
0x53: {  	s14 =	sadd.s32 $0x580, s17;
	s21 =	sadd.s32 $0x680, s17;
	(v2sf) =	vpush v0, $0x8;
	s22 =	spop (v2sf)  }
0x54: {  	s23 =	sadd.s32 $0x480, s17;
	s22 =	sand.u32 $0x1FFFFFF0, s22;
	s24 =	spop (v2sf)  }
0x55: {  	(v2sf) =	vpush v0, $0x9;
	s22 =	sadd.s32 s4, s22;
	s24 =	sand.u32 $0x1FFFFFF0, s24;
	s25 =	spop (v2sf)  }
0x56: {  	[tilespmem:s10], [sflag:$0x1] =	stream.linear.gather [hbm4b:s22+s2], $0x80, $0x38;
	[tilespmem:$0x19380] =	vst v63  }
0x57: {  	s26 =	sadd.s32 $0x500, s17;
	(v2sf) =	vpush v0, $0xA;
	s30 =	sadd.s32 s4, s24;
	s31 =	spop (v2sf)  }
0x58: {  	[tilespmem:s0], [sflag:$0x1] =	stream.linear.gather [hbm4b:s30+s2], $0x80, $0x38;
	[tilespmem:$0x19380] =	vst v63  }
0x59: {  	s10 =	sadd.s32 $0x880, s17;
	s28 =	sand.u32 $0x1FFFFFF0, s25;
	(v2sf) =	vpush v0, $0xB;
	s29 =	spop (v2sf)  }
0x5a: {  	s22 =	sadd.s32 s4, s28;
	s0 =	sadd.s32 $0x800, s17;
	s25 =	sand.u32 $0x1FFFFFF0, s29  }
0x5b: {  	(v2sf) =	vpush v0, $0xC;
	[tilespmem:s23], [sflag:$0x1] =	stream.linear.gather [hbm4b:s22+s2], $0x80, $0x38;
	[tilespmem:$0x19380] =	vst v63  }
0x5c: {  	s30 =	sand.u32 $0x1FFFFFF0, s31;
	s31 =	spop (v2sf);
	s28 =	sadd.s32 s4, s25  }
0x5d: {  	(v2sf) =	vpush v0, $0xD;
	[tilespmem:s26], [sflag:$0x1] =	stream.linear.gather [hbm4b:s28+s2], $0x80, $0x38;
	[tilespmem:$0x19380] =	vst v63  }
0x5e: {  	s22 =	sadd.s32 s4, s30;
	s23 =	sand.u32 $0x1FFFFFF0, s31;
	s29 =	spop (v2sf)  }
0x5f: {  	(v2sf) =	vpush v0, $0xE;
	[tilespmem:s14], [sflag:$0x1] =	stream.linear.gather [hbm4b:s22+s2], $0x80, $0x38;
	[tilespmem:$0x19380] =	vst v63  }
0x60: {  	s23 =	sadd.s32 s4, s23;
	s30 =	sand.u32 $0x1FFFFFF0, s29;
	s31 =	spop (v2sf)  }
0x61: {  	(v2sf) =	vpush v0, $0xF;
	[tilespmem:s3], [sflag:$0x1] =	stream.linear.gather [hbm4b:s23+s2], $0x80, $0x38;
	[tilespmem:$0x19380] =	vst v63  }
0x62: {  	s24 =	sand.u32 $0x1FFFFFF0, s31;
	s25 =	spop (v2sf);
	s14 =	sadd.s32 s4, s30  }
0x63: {  	[tilespmem:s21], [sflag:$0x1] =	stream.linear.gather [hbm4b:s14+s2], $0x80, $0x38;
	[tilespmem:$0x19380] =	vst v63  }
0x64: {  	s26 =	sand.u32 $0x1FFFFFF0, s25;
	s3 =	sadd.s32 s4, s24;
	s28 =	spop (v2sf)  }
0x65: {  	[tilespmem:s1], [sflag:$0x1] =	stream.linear.gather [hbm4b:s3+s2], $0x80, $0x38;
	[tilespmem:$0x19380] =	vst v63  }
0x66: {  	s14 =	sadd.s32 s4, s26;
	s29 =	sand.u32 $0x1FFFFFF0, s28;
	s30 =	spop (v2sf)  }
0x67: {  	[tilespmem:s7], [sflag:$0x1] =	stream.linear.gather [hbm4b:s14+s2], $0x80, $0x38;
	[tilespmem:$0x19380] =	vst v63  }
0x68: {  	s3 =	sand.u32 $0x1FFFFFF0, s30;
	s1 =	sadd.s32 s4, s29;
	s31 =	spop (v2sf)  }
0x69: {  	[tilespmem:s0], [sflag:$0x1] =	stream.linear.gather [hbm4b:s1+s2], $0x80, $0x38;
	[tilespmem:$0x19380] =	vst v63  }
0x6a: {  	s3 =	sadd.s32 s4, s3;
	s7 =	sand.u32 $0x1FFFFFF0, s31;
	s14 =	spop (v2sf)  }
0x6b: {  	[tilespmem:s10], [sflag:$0x1] =	stream.linear.gather [hbm4b:s3+s2], $0x80, $0x38;
	[tilespmem:$0x19380] =	vst v63  }
0x6c: {  	s0 =	sadd.s32 s4, s7;
	s1 =	sand.u32 $0x1FFFFFF0, s14;
	s21 =	spop (v2sf)  }
0x6d: {  	[tilespmem:s20], [sflag:$0x1] =	stream.linear.gather [hbm4b:s0+s2], $0x80, $0x38;
	[tilespmem:$0x19380] =	vst v63  }
0x6e: {  	s22 =	sand.u32 $0x1FFFFFF0, s21;
	s1 =	sadd.s32 s4, s1;
	s23 =	spop (v2sf)  }
0x6f: {  	[tilespmem:s18], [sflag:$0x1] =	stream.linear.gather [hbm4b:s1+s2], $0x80, $0x38;
	[tilespmem:$0x19380] =	vst v63  }
0x70: {  	s24 =	sand.u32 $0x1FFFFFF0, s23;
	s25 =	spop (v2sf);
	s0 =	sadd.s32 s4, s22  }
0x71: {  	[tilespmem:s19], [sflag:$0x1] =	stream.linear.gather [hbm4b:s0+s2], $0x80, $0x38;
	[tilespmem:$0x19380] =	vst v63  }
0x72: {  	s28 =	sadd.s32 $0xA80, s17;
	s26 =	sand.u32 $0x1FFFFFF0, s25;
	s1 =	sadd.s32 s4, s24  }
0x73: {  	[tilespmem:s28], [sflag:$0x1] =	stream.linear.gather [hbm4b:s1+s2], $0x80, $0x38;
	[tilespmem:$0x19380] =	vst v63  }
0x74: {  	s29 =	sadd.s32 $0xB00, s17;
	s0 =	sadd.s32 s4, s26  }
0x75: {  	[tilespmem:s29], [sflag:$0x1] =	stream.linear.gather [hbm4b:s0+s2], $0x80, $0x38;
	[tilespmem:$0x19380] =	vst v63  }
0x76: {  	_ =	swait.ge [sflag:s9], $0x6400  }
0x77: {  	[sflag:s9] =	ssyncset.done $0x0  }
0x78: {  	[sflag:s9] =	ssyncadd.s32 $0xFFFF9C00  }
0x79: {  	_ =	swait.ge [sflag:s9], $0x6400  }
0x7a: {  	[sflag:s9] =	ssyncset.done $0x0  }
0x7b: {  	[sflag:s9] =	ssyncadd.s32 $0xFFFF9C00  }
0x7c: {  	_ =	swait.ge [sflag:s9], $0x6400  }
0x7d: {  	[sflag:s9] =	ssyncset.done $0x0  }
0x7e: {  	[sflag:s9] =	ssyncadd.s32 $0xFFFF9C00  }
0x7f: {  	_ =	swait.ge [sflag:s9], $0x6400  }
0x80: {  	s30 =	smul.u32 $0x6400, s16;
	[sflag:s9] =	ssyncset.done $0x0  }
0x81: {  	s31 =	smul.u32 $0xC80, s16;
	s19 =	simm.s32 $0x0;
	[sflag:s9] =	ssyncadd.s32 $0xFFFF9C00  }
0x82: {  	s0 =	sshrl.u32 s30, $0x3;
	v0 =	vld [tilespmem:s19+$0x380]  }
0x83: {  	s21 =	simm.s32 $0x200;
	s20 =	sadd.s32 s5, s31;
	s0 =	sadd.s32 s5, s0;
	v1 =	vld [tilespmem:s19+$0x390]  }
0x84: {  	s18 =	sadd.s32 $0xC80, s0;
	s17 =	sadd.s32 $0x1900, s0;
	s16 =	sadd.s32 $0x2580, s0;
	v2 =	vld [tilespmem:s19+$0x3A0]  }
.LBB2_5:
0x85: {  	p0 =	sne.s32 s21, $0x63E00;
	v3 =	vld [tilespmem:s19+$0x3B0];
	_ =	sdelay $0x1  }
0x86: {  	v0 =	vmul.f32 $8.000000000e+00, v0  }
.Ltmp1:
0x87: {  	v1 =	vmul.f32 $8.000000000e+00, v1;
	(pc) =	sbr.rel @p0 .LBB2_5-.Ltmp1, $4  }
0x88: {  	s0 =	sshra.s32 s21, $0x2;
	[tilespmem:s19+$0x380] =	vst v0;
	v2 =	vmul.f32 $8.000000000e+00, v2  }
0x89: {  	v0 =	vld [tilespmem:s0+$0x380];
	[tilespmem:s19+$0x390] =	vst v1;
	v3 =	vmul.f32 $8.000000000e+00, v3  }
0x8a: {  	v1 =	vld [tilespmem:s0+$0x390];
	[tilespmem:s19+$0x3A0] =	vst v2  }
0x8b: {  	s21 =	sadd.s32 $0x200, s21;
	v2 =	vld [tilespmem:s0+$0x3A0];
	[tilespmem:s19+$0x3B0] =	vst v3;
	s19 =	smov.u32 s0  }
0x8c: {  	v3 =	vld [tilespmem:s19+$0x3B0];
	_ =	sdelay $0x1  }
0x8d: {  	v0 =	vmul.f32 $8.000000000e+00, v0  }
0x8e: {  	v1 =	vmul.f32 $8.000000000e+00, v1  }
0x8f: {  	[tilespmem:s19+$0x380] =	vst v0;
	v62 =	vmul.f32 $8.000000000e+00, v2  }
0x90: {  	[tilespmem:s19+$0x390] =	vst v1;
	v63 =	vmul.f32 $8.000000000e+00, v3  }
0x91: {  	[tilespmem:s19+$0x3A0] =	vst v62  }
0x92: {  	s0 =	simm.s32 $0x380;
	[tilespmem:s19+$0x3B0] =	vst v63  }
0x93: {  	[hbm4b:s20+s2] =	stream.linear.scatter [tilespmem:s0], [sflag:$0x2], $0x6400, $0x38;
	[tilespmem:$0x19380] =	vst v63  }
0x94: {  	_ =	swait.ge [sflag:s8], $0x6400  }
0x95: {  	[sflag:s8] =	ssyncset.done $0x0  }
0x96: {  	[sflag:s8] =	ssyncadd.s32 $0xFFFF9C00  }
0x97: {  	[hbm4b:s18+s2] =	stream.linear.scatter [tilespmem:s11], [sflag:$0x2], $0x6400, $0x38;
	[tilespmem:$0x19380] =	vst v63  }
0x98: {  	_ =	swait.ge [sflag:s8], $0x6400  }
0x99: {  	[sflag:s8] =	ssyncset.done $0x0  }
0x9a: {  	[sflag:s8] =	ssyncadd.s32 $0xFFFF9C00  }
0x9b: {  	[hbm4b:s17+s2] =	stream.linear.scatter [tilespmem:s12], [sflag:$0x2], $0x6400, $0x38;
	[tilespmem:$0x19380] =	vst v63  }
0x9c: {  	s15 =	sadd.s32 $0x1, s15;
	_ =	swait.ge [sflag:s8], $0x6400  }
0x9d: {  	p0 =	sne.s32 s15, $0x20;
	[sflag:s8] =	ssyncset.done $0x0  }
.Ltmp2:
0x9e: {  	[sflag:s8] =	ssyncadd.s32 $0xFFFF9C00;
	(pc) =	sbr.rel @p0 .LBB2_2-.Ltmp2, $4  }
0x9f: {  	[hbm4b:s16+s2] =	stream.linear.scatter [tilespmem:s13], [sflag:$0x2], $0x6400, $0x38;
	[tilespmem:$0x19380] =	vst v63  }
0xa0: {  	_ =	swait.ge [sflag:s8], $0x6400  }
0xa1: {  	[sflag:s8] =	ssyncset.done $0x0  }
0xa2: {  	[sflag:s8] =	ssyncadd.s32 $0xFFFF9C00  }
0xa3: {  	s1 =	rddreg [dreg:$0x4]  }
0xa4: {  	s0 =	rddreg [dreg:$0x3];
	s1 =	sadd.s32 $0x1, s1  }
0xa5: {  	p0 =	sne.s32 s1, s0  }
.Ltmp3:
0xa6: {  	_ = 	snop;
	(pc) =	sbr.rel @p0 .LBB2_1-.Ltmp3, $1  }
0xa7: {  	_ =	sdelay $0x3  }
0xa8: {  	_ =	sfence.sel $0x180000  }
0xa9: {  	[bflag:$0x0] =	sbarrier.arrive $0xFFFF  }
0xaa: {  	_ =	strace $0x90000047  }
0xab: {  	s0 =	stileid.u32;
	[bflag:$0x2] =	sbarrier.arrive $0xFFFF  }
0xac: {  	p0 =	sne.s32 s0, $0x0;
	s0 =	rddreg [dreg:$0x2]  }
0xad: {  	s0 =	sadd.s32 @!p0 $0x100000, s0  }
0xae: {  	[sflag:s0] =	ssyncadd.tile.s32 @!p0 $0x1;
	_ =	shalt  }
.Lfunc_end2:
_tile_overlayer_lowered:
.L_overlay_start_2:
0xaf: {  	(tag) =	ssettag $0x2  }
0xb0: {  	s0 =	rddreg [dreg:$0x0];
	s2 =	stileid.u32  }
0xb1: {  	s1 =	rddreg [dreg:$0x1];
	p0 =	sne.s32 s2, $0x0  }
0xb2: {  	s3 =	rddreg [dreg:$0x2];
	[bflag:$0x3] =	sbarrier.arrive $0xFFFF;
	s2 =	simm.s32 @!p0 $0x1C02  }
0xb3: {  	[timem:s3], [sflag:s2] =	dma.local @!p0 [hbm:s0], s1  }
0xb4: {  	s0 =	simm.s32 @!p0 $0x2  }
0xb5: {  	_ =	swait.ge @!p0 [sflag:s0], s1  }
0xb6: {  	s1 =	ssub.s32 @!p0 $0x0, s1;
	[sflag:s0] =	ssyncset.done @!p0 $0x0  }
0xb7: {  	[sflag:s0] =	ssyncadd.s32 @!p0 s1  }
0xb8: {  	[bflag:$0x3] =	sbarrier.arrive $0xFFFF  }
0xb9: {  	_ =	shalt  }

</sc_bundles>
